<compile_context>
chip_gen: v7x
topology: tpu7x:2x2x1
jax: 0.10.2.dev20260603
libtpu: 0.0.44.dev20260713+nightly
codegen_flags: <defaults>
</compile_context>

<pallas_src>
import functools

import jax
import jax.numpy as jnp
from jax import lax
from jax.experimental import pallas as pl
from jax.experimental.pallas import tpu as pltpu
from jax.experimental.pallas import tpu_sc as plsc

_NC = 2
_NS = 16
_NW = _NC * _NS
_L = 16


def _sc_scatter_body(M, B, D, rpw, rpw_pad, idx_hbm, val_hbm, out_ref,
                     idx_v, lastpos_v, selb_v, seldst_v, buf_v, sem_g, sem_s):
    wid = lax.axis_index("s") * _NC + lax.axis_index("c")
    base = wid * rpw

    pltpu.sync_copy(idx_hbm, idx_v)

    minus1 = jnp.full((_L,), -1, jnp.int32)

    def init_body(i, _):
        lastpos_v[pl.ds(i * _L, _L)] = minus1
        return 0

    lax.fori_loop(0, rpw_pad // _L, init_body, 0, unroll=4)

    iota = lax.iota(jnp.int32, _L)

    def scan_body(i, _):
        v = idx_v[pl.ds(i * _L, _L)]
        owned = (v >= base) & (v < base + rpw)
        _, lastmask = plsc.scan_count(v, owned)
        keep = lastmask & owned
        bvec = iota + i * _L
        plsc.store_scatter(lastpos_v, [v - base], bvec, mask=keep)
        return 0

    lax.fori_loop(0, B // _L, scan_body, 0, unroll=4)

    def compact_body(i, off):
        lp = lastpos_v[pl.ds(i * _L, _L)]
        m = lp >= 0
        plsc.store_compressed(selb_v.at[pl.ds(off, _L)], lp, mask=m)
        plsc.store_compressed(
            seldst_v.at[pl.ds(off, _L)], iota + (base + i * _L), mask=m)
        return off + jnp.sum(m.astype(jnp.int32))

    cnt = lax.fori_loop(0, rpw_pad // _L, compact_body, 0, unroll=4)

    @pl.when(cnt > 0)
    def _move():
        vbase = (cnt // _L) * _L

        @pl.when(vbase < cnt)
        def _pad_tail():
            lastv = selb_v[pl.ds(cnt - 1, _L)]
            lastd = seldst_v[pl.ds(cnt - 1, _L)]
            b_pad = jnp.full((_L,), lastv[0], jnp.int32)
            d_pad = jnp.full((_L,), lastd[0], jnp.int32)
            fill = iota >= (cnt - vbase)
            bv0 = selb_v[pl.ds(vbase, _L)]
            dv0 = seldst_v[pl.ds(vbase, _L)]
            selb_v[pl.ds(vbase, _L)] = jnp.where(fill, b_pad, bv0)
            seldst_v[pl.ds(vbase, _L)] = jnp.where(fill, d_pad, dv0)

        nchunk = (cnt + _L - 1) // _L

        def _ig(c, slot):
            return pltpu.make_async_copy(
                val_hbm.at[selb_v.at[pl.ds(c * _L, _L)]],
                buf_v.at[slot], sem_g)

        def _is(c, slot):
            return pltpu.make_async_copy(
                buf_v.at[slot],
                out_ref.at[seldst_v.at[pl.ds(c * _L, _L)]], sem_s)

        _ig(0, 0).start()

        def chunk_body(c, _):
            slot = c % 2

            @pl.when(c > 0)
            def _drain_prev_scatter():
                _is(c - 1, 1 - slot).wait()

            @pl.when(c + 1 < nchunk)
            def _fire_next_gather():
                _ig(c + 1, 1 - slot).start()

            _ig(c, slot).wait()
            _is(c, slot).start()
            return 0

        lax.fori_loop(0, nchunk, chunk_body, 0)
        _is(nchunk - 1, (nchunk - 1) % 2).wait()


def kernel(input, index, value):
    M, D1, D2 = input.shape
    B = index.shape[0]
    D = D1 * D2
    rpw = (M + _NW - 1) // _NW
    rpw_pad = ((rpw + _L - 1) // _L) * _L
    cap = rpw_pad + _L

    mesh = plsc.VectorSubcoreMesh(core_axis_name="c", subcore_axis_name="s")
    sc_call = pl.kernel(
        functools.partial(_sc_scatter_body, M, B, D, rpw, rpw_pad),
        out_type=(),
        mesh=mesh,
        compiler_params=pltpu.CompilerParams(needs_layout_passes=False),
        scratch_types=[
            pltpu.VMEM((B,), jnp.int32),
            pltpu.VMEM((rpw_pad,), jnp.int32),
            pltpu.VMEM((cap,), jnp.int32),
            pltpu.VMEM((cap,), jnp.int32),
            pltpu.VMEM((2, _L, D), jnp.float32),
            pltpu.SemaphoreType.DMA,
            pltpu.SemaphoreType.DMA,
        ],
    )

    out_ref = jax.new_ref(input.reshape(M, D))
    sc_call(index, value.reshape(B, D), out_ref)
    return out_ref[...].reshape(M, D1, D2)

# --- scband reference (transcript-rebuilt; emitter-appended) ---
"""Pipeline reference for scband-index-put-impl3-dfloat-non-accumulate-module-39444979647260 (READ-ONLY COPY).

The authoritative reference and input builder live on the scoring server;
editing this copy changes nothing except your own understanding.
"""

import jax, jax.numpy as jnp
import numpy as np

M, D1, D2 = 50000, 16, 64
B = 8192

def setup_inputs(seed: int = 0) -> dict:
    key = jax.random.key(seed)
    k1, k2, k3 = jax.random.split(key, 3)
    inp = jax.random.normal(k1, (M, D1, D2), dtype=jnp.float32)
    index = jax.random.randint(k2, (B,), 0, M, dtype=jnp.int32)
    value = jax.random.normal(k3, (B, D1, D2), dtype=jnp.float32)
    return {"input": inp, "index": index, "value": value}

def reference(input, index, value):
    # torch.ops.aten._index_put_impl_(input, (index,), value, accumulate=False)
    # == scatter-overwrite of rows of `input` at positions `index` with `value`.
    # (With duplicate indices, torch result is nondeterministic; jax applies one of the
    # duplicates, which is a faithful realization of the same op.)
    return input.at[index].set(value)

if __name__ == "__main__":
    import jax
    _d = setup_inputs()
    print(jax.jit(kernel)(*tuple(_d.values())))

</pallas_src>

<mosaic_0001>
#map = affine_map<(d0, d1) -> (0)>
#map1 = affine_map<(d0, d1) -> (0, 0)>
module attributes {stable_mosaic.version = 14 : i64} {
  func.func @new_body(%arg0: i32, %arg1: i32, %arg2: memref<8192xi32, #tpu.memory_space<hbm>>, %arg3: memref<8192x1024xf32, #tpu.memory_space<hbm>>, %arg4: memref<50000x1024xf32, #tpu.memory_space<hbm>>, %arg5: memref<50000x1024xf32, #tpu.memory_space<hbm>>, %arg6: memref<8192xi32, #tpu.memory_space<vmem>>, %arg7: memref<1568xi32, #tpu.memory_space<vmem>>, %arg8: memref<1584xi32, #tpu.memory_space<vmem>>, %arg9: memref<1584xi32, #tpu.memory_space<vmem>>, %arg10: memref<2x16x1024xf32, #tpu.memory_space<vmem>>, %arg11: memref<!tpu.dma_semaphore, #tpu.memory_space<semaphore_mem>>, %arg12: memref<!tpu.dma_semaphore, #tpu.memory_space<semaphore_mem>>) attributes {dimension_semantics = [#tpu.dimension_semantics<core_parallel>, #tpu.dimension_semantics<subcore_parallel>], iteration_bounds = array<i64: 2, 16>, scalar_prefetch = 0 : i64, scratch_operands = 7 : i64, tpu.core_type = #tpu.core_type<sc_vector_subcore>, window_params = [{transform_indices = #map}, {transform_indices = #map1}, {transform_indices = #map1}, {transform_indices = #map1}]} {
    %mul3A = arith.constant 2 : i32
    %mul3A_0 = arith.muli %arg1, %mul3A : i32
    %add3A = arith.addi %mul3A_0, %arg0 : i32
    %mul3A_1 = arith.constant 1563 : i32
    %mul3A_2 = arith.muli %add3A, %mul3A_1 : i32
    "tpu.region"() ({
      %run_scoped3A = tpu.sem_alloc : memref<!tpu.dma_semaphore, #tpu.memory_space<semaphore_mem>>
      tpu.enqueue_dma source(%arg2 : memref<8192xi32, #tpu.memory_space<hbm>>) target(%arg6 : memref<8192xi32, #tpu.memory_space<vmem>>) target_semaphore(%run_scoped3A : memref<!tpu.dma_semaphore, #tpu.memory_space<semaphore_mem>>)
      tpu.wait_dma2 semaphore(%run_scoped3A : memref<!tpu.dma_semaphore, #tpu.memory_space<semaphore_mem>>) src(%arg2 : memref<8192xi32, #tpu.memory_space<hbm>>) dst(%arg6 : memref<8192xi32, #tpu.memory_space<vmem>>)
      tpu.yield
    }) : () -> ()
    %broadcast_in_dim3A = arith.constant -1 : i32
    %broadcast_in_dim3A_3 = vector.broadcast %broadcast_in_dim3A : i32 to vector<16xi32>
    %scan3A = arith.constant 0 : i32
    %scan3A_4 = arith.constant 0 : i32
    %scan3A_5 = arith.constant 96 : i32
    %scan3A_6 = arith.addi %scan3A_4, %scan3A_5 : i32
    %scan3A_7 = arith.constant 4 : i32
    %scan3A_8 = scf.for %scan3A_84 = %scan3A_4 to %scan3A_6 step %scan3A_7 iter_args(%scan3A_85 = %scan3A) -> (i32)  : i32 {
      %mul3A_86 = arith.constant 16 : i32
      %mul3A_87 = arith.muli %scan3A_84, %mul3A_86 : i32
      %swap3A_88 = arith.index_cast %mul3A_87 : i32 to index
      %swap3A_89 = tpu.vector_load %arg7[%swap3A_88] {strides = array<i32>} : memref<1568xi32, #tpu.memory_space<vmem>>, vector<16xi32>,
      tpu.vector_store %arg7[%swap3A_88], %broadcast_in_dim3A_3 {strides = array<i32>} : memref<1568xi32, #tpu.memory_space<vmem>>, vector<16xi32>,
      %scan3A_90 = arith.constant 0 : i32
      %scan3A_91 = arith.constant 1 : i32
      %scan3A_92 = arith.addi %scan3A_84, %scan3A_91 : i32
      %mul3A_93 = arith.constant 16 : i32
      %mul3A_94 = arith.muli %scan3A_92, %mul3A_93 : i32
      %swap3A_95 = arith.index_cast %mul3A_94 : i32 to index
      %swap3A_96 = tpu.vector_load %arg7[%swap3A_95] {strides = array<i32>} : memref<1568xi32, #tpu.memory_space<vmem>>, vector<16xi32>,
      tpu.vector_store %arg7[%swap3A_95], %broadcast_in_dim3A_3 {strides = array<i32>} : memref<1568xi32, #tpu.memory_space<vmem>>, vector<16xi32>,
      %scan3A_97 = arith.constant 0 : i32
      %scan3A_98 = arith.constant 2 : i32
      %scan3A_99 = arith.addi %scan3A_84, %scan3A_98 : i32
      %mul3A_100 = arith.constant 16 : i32
      %mul3A_101 = arith.muli %scan3A_99, %mul3A_100 : i32
      %swap3A_102 = arith.index_cast %mul3A_101 : i32 to index
      %swap3A_103 = tpu.vector_load %arg7[%swap3A_102] {strides = array<i32>} : memref<1568xi32, #tpu.memory_space<vmem>>, vector<16xi32>,
      tpu.vector_store %arg7[%swap3A_102], %broadcast_in_dim3A_3 {strides = array<i32>} : memref<1568xi32, #tpu.memory_space<vmem>>, vector<16xi32>,
      %scan3A_104 = arith.constant 0 : i32
      %scan3A_105 = arith.constant 3 : i32
      %scan3A_106 = arith.addi %scan3A_84, %scan3A_105 : i32
      %mul3A_107 = arith.constant 16 : i32
      %mul3A_108 = arith.muli %scan3A_106, %mul3A_107 : i32
      %swap3A_109 = arith.index_cast %mul3A_108 : i32 to index
      %swap3A_110 = tpu.vector_load %arg7[%swap3A_109] {strides = array<i32>} : memref<1568xi32, #tpu.memory_space<vmem>>, vector<16xi32>,
      tpu.vector_store %arg7[%swap3A_109], %broadcast_in_dim3A_3 {strides = array<i32>} : memref<1568xi32, #tpu.memory_space<vmem>>, vector<16xi32>,
      %scan3A_111 = arith.constant 0 : i32
      scf.yield %scan3A_111 : i32
    }
    %scan3A_9 = arith.constant 96 : i32
    %scan3A_10 = arith.addi %scan3A_4, %scan3A_9 : i32
    %mul3A_11 = arith.constant 16 : i32
    %mul3A_12 = arith.muli %scan3A_10, %mul3A_11 : i32
    %swap3A = arith.index_cast %mul3A_12 : i32 to index
    %swap3A_13 = tpu.vector_load %arg7[%swap3A] {strides = array<i32>} : memref<1568xi32, #tpu.memory_space<vmem>>, vector<16xi32>,
    tpu.vector_store %arg7[%swap3A], %broadcast_in_dim3A_3 {strides = array<i32>} : memref<1568xi32, #tpu.memory_space<vmem>>, vector<16xi32>,
    %scan3A_14 = arith.constant 0 : i32
    %scan3A_15 = arith.constant 97 : i32
    %scan3A_16 = arith.addi %scan3A_4, %scan3A_15 : i32
    %mul3A_17 = arith.constant 16 : i32
    %mul3A_18 = arith.muli %scan3A_16, %mul3A_17 : i32
    %swap3A_19 = arith.index_cast %mul3A_18 : i32 to index
    %swap3A_20 = tpu.vector_load %arg7[%swap3A_19] {strides = array<i32>} : memref<1568xi32, #tpu.memory_space<vmem>>, vector<16xi32>,
    tpu.vector_store %arg7[%swap3A_19], %broadcast_in_dim3A_3 {strides = array<i32>} : memref<1568xi32, #tpu.memory_space<vmem>>, vector<16xi32>,
    %scan3A_21 = arith.constant 0 : i32
    %scan3A_22 = arith.constant 98 : i32
    %iota3A = tpu.iota {dimensions = array<i32: 0>} : vector<16xi32>
    %scan3A_23 = arith.constant 0 : i32
    %scan3A_24 = arith.constant 0 : i32
    %scan3A_25 = arith.constant 512 : i32
    %scan3A_26 = arith.addi %scan3A_24, %scan3A_25 : i32
    %scan3A_27 = arith.constant 4 : i32
    %scan3A_28 = scf.for %scan3A_84 = %scan3A_24 to %scan3A_26 step %scan3A_27 iter_args(%scan3A_85 = %scan3A_23) -> (i32)  : i32 {
      %mul3A_86 = arith.constant 16 : i32
      %mul3A_87 = arith.muli %scan3A_84, %mul3A_86 : i32
      %get3A_88 = arith.index_cast %mul3A_87 : i32 to index
      %get3A_89 = tpu.vector_load %arg6[%get3A_88] {strides = array<i32>} : memref<8192xi32, #tpu.memory_space<vmem>>, vector<16xi32>,
      %ge3A_90 = vector.broadcast %mul3A_2 : i32 to vector<16xi32>
      %ge3A_91 = arith.cmpi sge, %get3A_89, %ge3A_90 : vector<16xi32>
      %add3A_92 = arith.constant 1563 : i32
      %add3A_93 = arith.addi %mul3A_2, %add3A_92 : i32
      %lt3A = vector.broadcast %add3A_93 : i32 to vector<16xi32>
      %lt3A_94 = arith.cmpi slt, %get3A_89, %lt3A : vector<16xi32>
      %and3A = arith.andi %ge3A_91, %lt3A_94 : vector<16xi1>
      %unique3A, %unique3A_95 = tpu.scan_count mask(%and3A : vector<16xi1>) value(%get3A_89 : vector<16xi32>) : vector<16xi1>, vector<16xi32>
      %and3A_96 = arith.andi %unique3A, %and3A : vector<16xi1>
      %mul3A_97 = arith.constant 16 : i32
      %mul3A_98 = arith.muli %scan3A_84, %mul3A_97 : i32
      %add3A_99 = vector.broadcast %mul3A_98 : i32 to vector<16xi32>
      %add3A_100 = arith.addi %iota3A, %add3A_99 : vector<16xi32>
      %sub3A = vector.broadcast %mul3A_2 : i32 to vector<16xi32>
      %sub3A_101 = arith.subi %get3A_89, %sub3A : vector<16xi32>
      tpu.vector_store_idx %arg7[%sub3A_101], %add3A_100 masked %and3A_96 : memref<1568xi32, #tpu.memory_space<vmem>>[vector<16xi32>], vector<16xi32>, vector<16xi1>
      %scan3A_102 = arith.constant 0 : i32
      %scan3A_103 = arith.constant 1 : i32
      %scan3A_104 = arith.addi %scan3A_84, %scan3A_103 : i32
      %mul3A_105 = arith.constant 16 : i32
      %mul3A_106 = arith.muli %scan3A_104, %mul3A_105 : i32
      %get3A_107 = arith.index_cast %mul3A_106 : i32 to index
      %get3A_108 = tpu.vector_load %arg6[%get3A_107] {strides = array<i32>} : memref<8192xi32, #tpu.memory_space<vmem>>, vector<16xi32>,
      %ge3A_109 = vector.broadcast %mul3A_2 : i32 to vector<16xi32>
      %ge3A_110 = arith.cmpi sge, %get3A_108, %ge3A_109 : vector<16xi32>
      %add3A_111 = arith.constant 1563 : i32
      %add3A_112 = arith.addi %mul3A_2, %add3A_111 : i32
      %lt3A_113 = vector.broadcast %add3A_112 : i32 to vector<16xi32>
      %lt3A_114 = arith.cmpi slt, %get3A_108, %lt3A_113 : vector<16xi32>
      %and3A_115 = arith.andi %ge3A_110, %lt3A_114 : vector<16xi1>
      %unique3A_116, %unique3A_117 = tpu.scan_count mask(%and3A_115 : vector<16xi1>) value(%get3A_108 : vector<16xi32>) : vector<16xi1>, vector<16xi32>
      %and3A_118 = arith.andi %unique3A_116, %and3A_115 : vector<16xi1>
      %mul3A_119 = arith.constant 16 : i32
      %mul3A_120 = arith.muli %scan3A_104, %mul3A_119 : i32
      %add3A_121 = vector.broadcast %mul3A_120 : i32 to vector<16xi32>
      %add3A_122 = arith.addi %iota3A, %add3A_121 : vector<16xi32>
      %sub3A_123 = vector.broadcast %mul3A_2 : i32 to vector<16xi32>
      %sub3A_124 = arith.subi %get3A_108, %sub3A_123 : vector<16xi32>
      tpu.vector_store_idx %arg7[%sub3A_124], %add3A_122 masked %and3A_118 : memref<1568xi32, #tpu.memory_space<vmem>>[vector<16xi32>], vector<16xi32>, vector<16xi1>
      %scan3A_125 = arith.constant 0 : i32
      %scan3A_126 = arith.constant 2 : i32
      %scan3A_127 = arith.addi %scan3A_84, %scan3A_126 : i32
      %mul3A_128 = arith.constant 16 : i32
      %mul3A_129 = arith.muli %scan3A_127, %mul3A_128 : i32
      %get3A_130 = arith.index_cast %mul3A_129 : i32 to index
      %get3A_131 = tpu.vector_load %arg6[%get3A_130] {strides = array<i32>} : memref<8192xi32, #tpu.memory_space<vmem>>, vector<16xi32>,
      %ge3A_132 = vector.broadcast %mul3A_2 : i32 to vector<16xi32>
      %ge3A_133 = arith.cmpi sge, %get3A_131, %ge3A_132 : vector<16xi32>
      %add3A_134 = arith.constant 1563 : i32
      %add3A_135 = arith.addi %mul3A_2, %add3A_134 : i32
      %lt3A_136 = vector.broadcast %add3A_135 : i32 to vector<16xi32>
      %lt3A_137 = arith.cmpi slt, %get3A_131, %lt3A_136 : vector<16xi32>
      %and3A_138 = arith.andi %ge3A_133, %lt3A_137 : vector<16xi1>
      %unique3A_139, %unique3A_140 = tpu.scan_count mask(%and3A_138 : vector<16xi1>) value(%get3A_131 : vector<16xi32>) : vector<16xi1>, vector<16xi32>
      %and3A_141 = arith.andi %unique3A_139, %and3A_138 : vector<16xi1>
      %mul3A_142 = arith.constant 16 : i32
      %mul3A_143 = arith.muli %scan3A_127, %mul3A_142 : i32
      %add3A_144 = vector.broadcast %mul3A_143 : i32 to vector<16xi32>
      %add3A_145 = arith.addi %iota3A, %add3A_144 : vector<16xi32>
      %sub3A_146 = vector.broadcast %mul3A_2 : i32 to vector<16xi32>
      %sub3A_147 = arith.subi %get3A_131, %sub3A_146 : vector<16xi32>
      tpu.vector_store_idx %arg7[%sub3A_147], %add3A_145 masked %and3A_141 : memref<1568xi32, #tpu.memory_space<vmem>>[vector<16xi32>], vector<16xi32>, vector<16xi1>
      %scan3A_148 = arith.constant 0 : i32
      %scan3A_149 = arith.constant 3 : i32
      %scan3A_150 = arith.addi %scan3A_84, %scan3A_149 : i32
      %mul3A_151 = arith.constant 16 : i32
      %mul3A_152 = arith.muli %scan3A_150, %mul3A_151 : i32
      %get3A_153 = arith.index_cast %mul3A_152 : i32 to index
      %get3A_154 = tpu.vector_load %arg6[%get3A_153] {strides = array<i32>} : memref<8192xi32, #tpu.memory_space<vmem>>, vector<16xi32>,
      %ge3A_155 = vector.broadcast %mul3A_2 : i32 to vector<16xi32>
      %ge3A_156 = arith.cmpi sge, %get3A_154, %ge3A_155 : vector<16xi32>
      %add3A_157 = arith.constant 1563 : i32
      %add3A_158 = arith.addi %mul3A_2, %add3A_157 : i32
      %lt3A_159 = vector.broadcast %add3A_158 : i32 to vector<16xi32>
      %lt3A_160 = arith.cmpi slt, %get3A_154, %lt3A_159 : vector<16xi32>
      %and3A_161 = arith.andi %ge3A_156, %lt3A_160 : vector<16xi1>
      %unique3A_162, %unique3A_163 = tpu.scan_count mask(%and3A_161 : vector<16xi1>) value(%get3A_154 : vector<16xi32>) : vector<16xi1>, vector<16xi32>
      %and3A_164 = arith.andi %unique3A_162, %and3A_161 : vector<16xi1>
      %mul3A_165 = arith.constant 16 : i32
      %mul3A_166 = arith.muli %scan3A_150, %mul3A_165 : i32
      %add3A_167 = vector.broadcast %mul3A_166 : i32 to vector<16xi32>
      %add3A_168 = arith.addi %iota3A, %add3A_167 : vector<16xi32>
      %sub3A_169 = vector.broadcast %mul3A_2 : i32 to vector<16xi32>
      %sub3A_170 = arith.subi %get3A_154, %sub3A_169 : vector<16xi32>
      tpu.vector_store_idx %arg7[%sub3A_170], %add3A_168 masked %and3A_164 : memref<1568xi32, #tpu.memory_space<vmem>>[vector<16xi32>], vector<16xi32>, vector<16xi1>
      %scan3A_171 = arith.constant 0 : i32
      scf.yield %scan3A_171 : i32
    }
    %scan3A_29 = arith.constant 512 : i32
    %scan3A_30 = arith.constant 0 : i32
    %scan3A_31 = arith.constant 0 : i32
    %scan3A_32 = arith.constant 96 : i32
    %scan3A_33 = arith.addi %scan3A_31, %scan3A_32 : i32
    %scan3A_34 = arith.constant 4 : i32
    %scan3A_35 = scf.for %scan3A_84 = %scan3A_31 to %scan3A_33 step %scan3A_34 iter_args(%scan3A_85 = %scan3A_30) -> (i32)  : i32 {
      %mul3A_86 = arith.constant 16 : i32
      %mul3A_87 = arith.muli %scan3A_84, %mul3A_86 : i32
      %get3A_88 = arith.index_cast %mul3A_87 : i32 to index
      %get3A_89 = tpu.vector_load %arg7[%get3A_88] {strides = array<i32>} : memref<1568xi32, #tpu.memory_space<vmem>>, vector<16xi32>,
      %ge3A_90 = arith.constant 0 : i32
      %ge3A_91 = vector.broadcast %ge3A_90 : i32 to vector<16xi32>
      %ge3A_92 = arith.cmpi sge, %get3A_89, %ge3A_91 : vector<16xi32>
      %swap3A_93 = arith.index_cast %scan3A_85 : i32 to index
      %swap3A_94 = tpu.vector_load %arg8[%swap3A_93] masked %ge3A_92 {strides = array<i32>} : memref<1584xi32, #tpu.memory_space<vmem>>, vector<16xi32>, vector<16xi1>
      tpu.vector_store %arg8[%swap3A_93], %get3A_89 masked %ge3A_92 {strides = array<i32>} : memref<1584xi32, #tpu.memory_space<vmem>>, vector<16xi32>, vector<16xi1>
      %mul3A_95 = arith.constant 16 : i32
      %mul3A_96 = arith.muli %scan3A_84, %mul3A_95 : i32
      %add3A_97 = arith.addi %mul3A_2, %mul3A_96 : i32
      %add3A_98 = vector.broadcast %add3A_97 : i32 to vector<16xi32>
      %add3A_99 = arith.addi %iota3A, %add3A_98 : vector<16xi32>
      %swap3A_100 = arith.index_cast %scan3A_85 : i32 to index
      %swap3A_101 = tpu.vector_load %arg9[%swap3A_100] masked %ge3A_92 {strides = array<i32>} : memref<1584xi32, #tpu.memory_space<vmem>>, vector<16xi32>, vector<16xi1>
      tpu.vector_store %arg9[%swap3A_100], %add3A_99 masked %ge3A_92 {strides = array<i32>} : memref<1584xi32, #tpu.memory_space<vmem>>, vector<16xi32>, vector<16xi1>
      %convert_element_type3A_102 = arith.extui %ge3A_92 : vector<16xi1> to vector<16xi32>
      %reduce_sum3A_103 = arith.constant true
      %reduce_sum3A_104 = vector.broadcast %reduce_sum3A_103 : i1 to vector<16xi1>
      %reduce_sum3A_105 = tpu.scan <sum>, %convert_element_type3A_102 masked %reduce_sum3A_104 : vector<16xi32>, vector<16xi1> -> vector<16xi32>
      %reduce_sum3A_106 = vector.extract %reduce_sum3A_105[15] : i32 from vector<16xi32>
      %add3A_107 = arith.addi %scan3A_85, %reduce_sum3A_106 : i32
      %scan3A_108 = arith.constant 1 : i32
      %scan3A_109 = arith.addi %scan3A_84, %scan3A_108 : i32
      %mul3A_110 = arith.constant 16 : i32
      %mul3A_111 = arith.muli %scan3A_109, %mul3A_110 : i32
      %get3A_112 = arith.index_cast %mul3A_111 : i32 to index
      %get3A_113 = tpu.vector_load %arg7[%get3A_112] {strides = array<i32>} : memref<1568xi32, #tpu.memory_space<vmem>>, vector<16xi32>,
      %ge3A_114 = arith.constant 0 : i32
      %ge3A_115 = vector.broadcast %ge3A_114 : i32 to vector<16xi32>
      %ge3A_116 = arith.cmpi sge, %get3A_113, %ge3A_115 : vector<16xi32>
      %swap3A_117 = arith.index_cast %add3A_107 : i32 to index
      %swap3A_118 = tpu.vector_load %arg8[%swap3A_117] masked %ge3A_116 {strides = array<i32>} : memref<1584xi32, #tpu.memory_space<vmem>>, vector<16xi32>, vector<16xi1>
      tpu.vector_store %arg8[%swap3A_117], %get3A_113 masked %ge3A_116 {strides = array<i32>} : memref<1584xi32, #tpu.memory_space<vmem>>, vector<16xi32>, vector<16xi1>
      %mul3A_119 = arith.constant 16 : i32
      %mul3A_120 = arith.muli %scan3A_109, %mul3A_119 : i32
      %add3A_121 = arith.addi %mul3A_2, %mul3A_120 : i32
      %add3A_122 = vector.broadcast %add3A_121 : i32 to vector<16xi32>
      %add3A_123 = arith.addi %iota3A, %add3A_122 : vector<16xi32>
      %swap3A_124 = arith.index_cast %add3A_107 : i32 to index
      %swap3A_125 = tpu.vector_load %arg9[%swap3A_124] masked %ge3A_116 {strides = array<i32>} : memref<1584xi32, #tpu.memory_space<vmem>>, vector<16xi32>, vector<16xi1>
      tpu.vector_store %arg9[%swap3A_124], %add3A_123 masked %ge3A_116 {strides = array<i32>} : memref<1584xi32, #tpu.memory_space<vmem>>, vector<16xi32>, vector<16xi1>
      %convert_element_type3A_126 = arith.extui %ge3A_116 : vector<16xi1> to vector<16xi32>
      %reduce_sum3A_127 = arith.constant true
      %reduce_sum3A_128 = vector.broadcast %reduce_sum3A_127 : i1 to vector<16xi1>
      %reduce_sum3A_129 = tpu.scan <sum>, %convert_element_type3A_126 masked %reduce_sum3A_128 : vector<16xi32>, vector<16xi1> -> vector<16xi32>
      %reduce_sum3A_130 = vector.extract %reduce_sum3A_129[15] : i32 from vector<16xi32>
      %add3A_131 = arith.addi %add3A_107, %reduce_sum3A_130 : i32
      %scan3A_132 = arith.constant 2 : i32
      %scan3A_133 = arith.addi %scan3A_84, %scan3A_132 : i32
      %mul3A_134 = arith.constant 16 : i32
      %mul3A_135 = arith.muli %scan3A_133, %mul3A_134 : i32
      %get3A_136 = arith.index_cast %mul3A_135 : i32 to index
      %get3A_137 = tpu.vector_load %arg7[%get3A_136] {strides = array<i32>} : memref<1568xi32, #tpu.memory_space<vmem>>, vector<16xi32>,
      %ge3A_138 = arith.constant 0 : i32
      %ge3A_139 = vector.broadcast %ge3A_138 : i32 to vector<16xi32>
      %ge3A_140 = arith.cmpi sge, %get3A_137, %ge3A_139 : vector<16xi32>
      %swap3A_141 = arith.index_cast %add3A_131 : i32 to index
      %swap3A_142 = tpu.vector_load %arg8[%swap3A_141] masked %ge3A_140 {strides = array<i32>} : memref<1584xi32, #tpu.memory_space<vmem>>, vector<16xi32>, vector<16xi1>
      tpu.vector_store %arg8[%swap3A_141], %get3A_137 masked %ge3A_140 {strides = array<i32>} : memref<1584xi32, #tpu.memory_space<vmem>>, vector<16xi32>, vector<16xi1>
      %mul3A_143 = arith.constant 16 : i32
      %mul3A_144 = arith.muli %scan3A_133, %mul3A_143 : i32
      %add3A_145 = arith.addi %mul3A_2, %mul3A_144 : i32
      %add3A_146 = vector.broadcast %add3A_145 : i32 to vector<16xi32>
      %add3A_147 = arith.addi %iota3A, %add3A_146 : vector<16xi32>
      %swap3A_148 = arith.index_cast %add3A_131 : i32 to index
      %swap3A_149 = tpu.vector_load %arg9[%swap3A_148] masked %ge3A_140 {strides = array<i32>} : memref<1584xi32, #tpu.memory_space<vmem>>, vector<16xi32>, vector<16xi1>
      tpu.vector_store %arg9[%swap3A_148], %add3A_147 masked %ge3A_140 {strides = array<i32>} : memref<1584xi32, #tpu.memory_space<vmem>>, vector<16xi32>, vector<16xi1>
      %convert_element_type3A_150 = arith.extui %ge3A_140 : vector<16xi1> to vector<16xi32>
      %reduce_sum3A_151 = arith.constant true
      %reduce_sum3A_152 = vector.broadcast %reduce_sum3A_151 : i1 to vector<16xi1>
      %reduce_sum3A_153 = tpu.scan <sum>, %convert_element_type3A_150 masked %reduce_sum3A_152 : vector<16xi32>, vector<16xi1> -> vector<16xi32>
      %reduce_sum3A_154 = vector.extract %reduce_sum3A_153[15] : i32 from vector<16xi32>
      %add3A_155 = arith.addi %add3A_131, %reduce_sum3A_154 : i32
      %scan3A_156 = arith.constant 3 : i32
      %scan3A_157 = arith.addi %scan3A_84, %scan3A_156 : i32
      %mul3A_158 = arith.constant 16 : i32
      %mul3A_159 = arith.muli %scan3A_157, %mul3A_158 : i32
      %get3A_160 = arith.index_cast %mul3A_159 : i32 to index
      %get3A_161 = tpu.vector_load %arg7[%get3A_160] {strides = array<i32>} : memref<1568xi32, #tpu.memory_space<vmem>>, vector<16xi32>,
      %ge3A_162 = arith.constant 0 : i32
      %ge3A_163 = vector.broadcast %ge3A_162 : i32 to vector<16xi32>
      %ge3A_164 = arith.cmpi sge, %get3A_161, %ge3A_163 : vector<16xi32>
      %swap3A_165 = arith.index_cast %add3A_155 : i32 to index
      %swap3A_166 = tpu.vector_load %arg8[%swap3A_165] masked %ge3A_164 {strides = array<i32>} : memref<1584xi32, #tpu.memory_space<vmem>>, vector<16xi32>, vector<16xi1>
      tpu.vector_store %arg8[%swap3A_165], %get3A_161 masked %ge3A_164 {strides = array<i32>} : memref<1584xi32, #tpu.memory_space<vmem>>, vector<16xi32>, vector<16xi1>
      %mul3A_167 = arith.constant 16 : i32
      %mul3A_168 = arith.muli %scan3A_157, %mul3A_167 : i32
      %add3A_169 = arith.addi %mul3A_2, %mul3A_168 : i32
      %add3A_170 = vector.broadcast %add3A_169 : i32 to vector<16xi32>
      %add3A_171 = arith.addi %iota3A, %add3A_170 : vector<16xi32>
      %swap3A_172 = arith.index_cast %add3A_155 : i32 to index
      %swap3A_173 = tpu.vector_load %arg9[%swap3A_172] masked %ge3A_164 {strides = array<i32>} : memref<1584xi32, #tpu.memory_space<vmem>>, vector<16xi32>, vector<16xi1>
      tpu.vector_store %arg9[%swap3A_172], %add3A_171 masked %ge3A_164 {strides = array<i32>} : memref<1584xi32, #tpu.memory_space<vmem>>, vector<16xi32>, vector<16xi1>
      %convert_element_type3A_174 = arith.extui %ge3A_164 : vector<16xi1> to vector<16xi32>
      %reduce_sum3A_175 = arith.constant true
      %reduce_sum3A_176 = vector.broadcast %reduce_sum3A_175 : i1 to vector<16xi1>
      %reduce_sum3A_177 = tpu.scan <sum>, %convert_element_type3A_174 masked %reduce_sum3A_176 : vector<16xi32>, vector<16xi1> -> vector<16xi32>
      %reduce_sum3A_178 = vector.extract %reduce_sum3A_177[15] : i32 from vector<16xi32>
      %add3A_179 = arith.addi %add3A_155, %reduce_sum3A_178 : i32
      scf.yield %add3A_179 : i32
    }
    %scan3A_36 = arith.constant 96 : i32
    %scan3A_37 = arith.addi %scan3A_31, %scan3A_36 : i32
    %mul3A_38 = arith.constant 16 : i32
    %mul3A_39 = arith.muli %scan3A_37, %mul3A_38 : i32
    %get3A = arith.index_cast %mul3A_39 : i32 to index
    %get3A_40 = tpu.vector_load %arg7[%get3A] {strides = array<i32>} : memref<1568xi32, #tpu.memory_space<vmem>>, vector<16xi32>,
    %ge3A = arith.constant 0 : i32
    %ge3A_41 = vector.broadcast %ge3A : i32 to vector<16xi32>
    %ge3A_42 = arith.cmpi sge, %get3A_40, %ge3A_41 : vector<16xi32>
    %swap3A_43 = arith.index_cast %scan3A_35 : i32 to index
    %swap3A_44 = tpu.vector_load %arg8[%swap3A_43] masked %ge3A_42 {strides = array<i32>} : memref<1584xi32, #tpu.memory_space<vmem>>, vector<16xi32>, vector<16xi1>
    tpu.vector_store %arg8[%swap3A_43], %get3A_40 masked %ge3A_42 {strides = array<i32>} : memref<1584xi32, #tpu.memory_space<vmem>>, vector<16xi32>, vector<16xi1>
    %mul3A_45 = arith.constant 16 : i32
    %mul3A_46 = arith.muli %scan3A_37, %mul3A_45 : i32
    %add3A_47 = arith.addi %mul3A_2, %mul3A_46 : i32
    %add3A_48 = vector.broadcast %add3A_47 : i32 to vector<16xi32>
    %add3A_49 = arith.addi %iota3A, %add3A_48 : vector<16xi32>
    %swap3A_50 = arith.index_cast %scan3A_35 : i32 to index
    %swap3A_51 = tpu.vector_load %arg9[%swap3A_50] masked %ge3A_42 {strides = array<i32>} : memref<1584xi32, #tpu.memory_space<vmem>>, vector<16xi32>, vector<16xi1>
    tpu.vector_store %arg9[%swap3A_50], %add3A_49 masked %ge3A_42 {strides = array<i32>} : memref<1584xi32, #tpu.memory_space<vmem>>, vector<16xi32>, vector<16xi1>
    %convert_element_type3A = arith.extui %ge3A_42 : vector<16xi1> to vector<16xi32>
    %reduce_sum3A = arith.constant true
    %reduce_sum3A_52 = vector.broadcast %reduce_sum3A : i1 to vector<16xi1>
    %reduce_sum3A_53 = tpu.scan <sum>, %convert_element_type3A masked %reduce_sum3A_52 : vector<16xi32>, vector<16xi1> -> vector<16xi32>
    %reduce_sum3A_54 = vector.extract %reduce_sum3A_53[15] : i32 from vector<16xi32>
    %add3A_55 = arith.addi %scan3A_35, %reduce_sum3A_54 : i32
    %scan3A_56 = arith.constant 97 : i32
    %scan3A_57 = arith.addi %scan3A_31, %scan3A_56 : i32
    %mul3A_58 = arith.constant 16 : i32
    %mul3A_59 = arith.muli %scan3A_57, %mul3A_58 : i32
    %get3A_60 = arith.index_cast %mul3A_59 : i32 to index
    %get3A_61 = tpu.vector_load %arg7[%get3A_60] {strides = array<i32>} : memref<1568xi32, #tpu.memory_space<vmem>>, vector<16xi32>,
    %ge3A_62 = arith.constant 0 : i32
    %ge3A_63 = vector.broadcast %ge3A_62 : i32 to vector<16xi32>
    %ge3A_64 = arith.cmpi sge, %get3A_61, %ge3A_63 : vector<16xi32>
    %swap3A_65 = arith.index_cast %add3A_55 : i32 to index
    %swap3A_66 = tpu.vector_load %arg8[%swap3A_65] masked %ge3A_64 {strides = array<i32>} : memref<1584xi32, #tpu.memory_space<vmem>>, vector<16xi32>, vector<16xi1>
    tpu.vector_store %arg8[%swap3A_65], %get3A_61 masked %ge3A_64 {strides = array<i32>} : memref<1584xi32, #tpu.memory_space<vmem>>, vector<16xi32>, vector<16xi1>
    %mul3A_67 = arith.constant 16 : i32
    %mul3A_68 = arith.muli %scan3A_57, %mul3A_67 : i32
    %add3A_69 = arith.addi %mul3A_2, %mul3A_68 : i32
    %add3A_70 = vector.broadcast %add3A_69 : i32 to vector<16xi32>
    %add3A_71 = arith.addi %iota3A, %add3A_70 : vector<16xi32>
    %swap3A_72 = arith.index_cast %add3A_55 : i32 to index
    %swap3A_73 = tpu.vector_load %arg9[%swap3A_72] masked %ge3A_64 {strides = array<i32>} : memref<1584xi32, #tpu.memory_space<vmem>>, vector<16xi32>, vector<16xi1>
    tpu.vector_store %arg9[%swap3A_72], %add3A_71 masked %ge3A_64 {strides = array<i32>} : memref<1584xi32, #tpu.memory_space<vmem>>, vector<16xi32>, vector<16xi1>
    %convert_element_type3A_74 = arith.extui %ge3A_64 : vector<16xi1> to vector<16xi32>
    %reduce_sum3A_75 = arith.constant true
    %reduce_sum3A_76 = vector.broadcast %reduce_sum3A_75 : i1 to vector<16xi1>
    %reduce_sum3A_77 = tpu.scan <sum>, %convert_element_type3A_74 masked %reduce_sum3A_76 : vector<16xi32>, vector<16xi1> -> vector<16xi32>
    %reduce_sum3A_78 = vector.extract %reduce_sum3A_77[15] : i32 from vector<16xi32>
    %add3A_79 = arith.addi %add3A_55, %reduce_sum3A_78 : i32
    %scan3A_80 = arith.constant 98 : i32
    %gt3A = arith.constant 0 : i32
    %gt3A_81 = arith.cmpi sgt, %add3A_79, %gt3A : i32
    %convert_element_type3A_82 = arith.extui %gt3A_81 : i1 to i32
    %cond3A = arith.constant 0 : i32
    %cond3A_83 = arith.cmpi ne, %convert_element_type3A_82, %cond3A : i32
    scf.if %cond3A_83 {
      %jit3A = arith.constant 16 : i32
      %div3A = arith.divsi %add3A_79, %jit3A : i32
      %sign3A = arith.constant 0 : i32
      %sign3A_84 = arith.cmpi sgt, %add3A_79, %sign3A : i32
      %sign3A_85 = arith.extui %sign3A_84 : i1 to i32
      %sign3A_86 = arith.constant 0 : i32
      %sign3A_87 = arith.cmpi slt, %add3A_79, %sign3A_86 : i32
      %sign3A_88 = arith.extui %sign3A_87 : i1 to i32
      %sign3A_89 = arith.subi %sign3A_85, %sign3A_88 : i32
      %sign3A_90 = arith.constant 0 : i32
      %sign3A_91 = arith.cmpi sgt, %jit3A, %sign3A_90 : i32
      %sign3A_92 = arith.extui %sign3A_91 : i1 to i32
      %sign3A_93 = arith.constant 0 : i32
      %sign3A_94 = arith.cmpi slt, %jit3A, %sign3A_93 : i32
      %sign3A_95 = arith.extui %sign3A_94 : i1 to i32
      %sign3A_96 = arith.subi %sign3A_92, %sign3A_95 : i32
      %ne3A = arith.cmpi ne, %sign3A_89, %sign3A_96 : i32
      %rem3A = arith.remsi %add3A_79, %jit3A : i32
      %ne3A_97 = arith.constant 0 : i32
      %ne3A_98 = arith.cmpi ne, %rem3A, %ne3A_97 : i32
      %and3A = arith.andi %ne3A, %ne3A_98 : i1
      %sub3A = arith.constant 1 : i32
      %sub3A_99 = arith.subi %div3A, %sub3A : i32
      %select_n3A = arith.select %and3A, %sub3A_99, %div3A : i32
      %mul3A_100 = arith.constant 16 : i32
      %mul3A_101 = arith.muli %select_n3A, %mul3A_100 : i32
      %lt3A = arith.cmpi slt, %mul3A_101, %add3A_79 : i32
      %convert_element_type3A_102 = arith.extui %lt3A : i1 to i32
      %cond3A_103 = arith.constant 0 : i32
      %cond3A_104 = arith.cmpi ne, %convert_element_type3A_102, %cond3A_103 : i32
      scf.if %cond3A_104 {
        %sub3A_181 = arith.constant 1 : i32
        %sub3A_182 = arith.subi %add3A_79, %sub3A_181 : i32
        %get3A_183 = arith.index_cast %sub3A_182 : i32 to index
        %get3A_184 = tpu.vector_load %arg8[%get3A_183] {strides = array<i32>} : memref<1584xi32, #tpu.memory_space<vmem>>, vector<16xi32>,
        %sub3A_185 = arith.constant 1 : i32
        %sub3A_186 = arith.subi %add3A_79, %sub3A_185 : i32
        %get3A_187 = arith.index_cast %sub3A_186 : i32 to index
        %get3A_188 = tpu.vector_load %arg9[%get3A_187] {strides = array<i32>} : memref<1584xi32, #tpu.memory_space<vmem>>, vector<16xi32>,
        %slice3A = vector.extract_strided_slice %get3A_184 {offsets = [0], sizes = [1], strides = [1]} : vector<16xi32> to vector<1xi32>
        %squeeze3A = vector.extract %slice3A[0] : i32 from vector<1xi32>
        %broadcast_in_dim3A_189 = vector.broadcast %squeeze3A : i32 to vector<16xi32>
        %slice3A_190 = vector.extract_strided_slice %get3A_188 {offsets = [0], sizes = [1], strides = [1]} : vector<16xi32> to vector<1xi32>
        %squeeze3A_191 = vector.extract %slice3A_190[0] : i32 from vector<1xi32>
        %broadcast_in_dim3A_192 = vector.broadcast %squeeze3A_191 : i32 to vector<16xi32>
        %sub3A_193 = arith.subi %add3A_79, %mul3A_101 : i32
        %ge3A_194 = vector.broadcast %sub3A_193 : i32 to vector<16xi32>
        %ge3A_195 = arith.cmpi sge, %iota3A, %ge3A_194 : vector<16xi32>
        %get3A_196 = arith.index_cast %mul3A_101 : i32 to index
        %get3A_197 = tpu.vector_load %arg8[%get3A_196] {strides = array<i32>} : memref<1584xi32, #tpu.memory_space<vmem>>, vector<16xi32>,
        %get3A_198 = arith.index_cast %mul3A_101 : i32 to index
        %get3A_199 = tpu.vector_load %arg9[%get3A_198] {strides = array<i32>} : memref<1584xi32, #tpu.memory_space<vmem>>, vector<16xi32>,
        %select_n3A_200 = arith.select %ge3A_195, %broadcast_in_dim3A_189, %get3A_197 : vector<16xi1>, vector<16xi32>
        %swap3A_201 = arith.index_cast %mul3A_101 : i32 to index
        %swap3A_202 = tpu.vector_load %arg8[%swap3A_201] {strides = array<i32>} : memref<1584xi32, #tpu.memory_space<vmem>>, vector<16xi32>,
        tpu.vector_store %arg8[%swap3A_201], %select_n3A_200 {strides = array<i32>} : memref<1584xi32, #tpu.memory_space<vmem>>, vector<16xi32>,
        %select_n3A_203 = arith.select %ge3A_195, %broadcast_in_dim3A_192, %get3A_199 : vector<16xi1>, vector<16xi32>
        %swap3A_204 = arith.index_cast %mul3A_101 : i32 to index
        %swap3A_205 = tpu.vector_load %arg9[%swap3A_204] {strides = array<i32>} : memref<1584xi32, #tpu.memory_space<vmem>>, vector<16xi32>,
        tpu.vector_store %arg9[%swap3A_204], %select_n3A_203 {strides = array<i32>} : memref<1584xi32, #tpu.memory_space<vmem>>, vector<16xi32>,
      } else {
      }
      %add3A_105 = arith.constant 16 : i32
      %add3A_106 = arith.addi %add3A_79, %add3A_105 : i32
      %sub3A_107 = arith.constant 1 : i32
      %sub3A_108 = arith.subi %add3A_106, %sub3A_107 : i32
      %jit3A_109 = arith.constant 16 : i32
      %div3A_110 = arith.divsi %sub3A_108, %jit3A_109 : i32
      %sign3A_111 = arith.constant 0 : i32
      %sign3A_112 = arith.cmpi sgt, %sub3A_108, %sign3A_111 : i32
      %sign3A_113 = arith.extui %sign3A_112 : i1 to i32
      %sign3A_114 = arith.constant 0 : i32
      %sign3A_115 = arith.cmpi slt, %sub3A_108, %sign3A_114 : i32
      %sign3A_116 = arith.extui %sign3A_115 : i1 to i32
      %sign3A_117 = arith.subi %sign3A_113, %sign3A_116 : i32
      %sign3A_118 = arith.constant 0 : i32
      %sign3A_119 = arith.cmpi sgt, %jit3A_109, %sign3A_118 : i32
      %sign3A_120 = arith.extui %sign3A_119 : i1 to i32
      %sign3A_121 = arith.constant 0 : i32
      %sign3A_122 = arith.cmpi slt, %jit3A_109, %sign3A_121 : i32
      %sign3A_123 = arith.extui %sign3A_122 : i1 to i32
      %sign3A_124 = arith.subi %sign3A_120, %sign3A_123 : i32
      %ne3A_125 = arith.cmpi ne, %sign3A_117, %sign3A_124 : i32
      %rem3A_126 = arith.remsi %sub3A_108, %jit3A_109 : i32
      %ne3A_127 = arith.constant 0 : i32
      %ne3A_128 = arith.cmpi ne, %rem3A_126, %ne3A_127 : i32
      %and3A_129 = arith.andi %ne3A_125, %ne3A_128 : i1
      %sub3A_130 = arith.constant 1 : i32
      %sub3A_131 = arith.subi %div3A_110, %sub3A_130 : i32
      %select_n3A_132 = arith.select %and3A_129, %sub3A_131, %div3A_110 : i32
      %dma_start3A = arith.constant 0 : i32
      %dma_start3A_133 = arith.constant 0 : i32
      %dma_start3A_134 = arith.constant 0 : i32
      %dma_start3A_135 = tpu.memref_slice %arg10[%dma_start3A, %dma_start3A_133, %dma_start3A_134] : memref<2x16x1024xf32, #tpu.memory_space<vmem>> -> memref<1x16x1024xf32, #tpu.memory_space<vmem>>
      %dma_start3A_136 = tpu.memref_squeeze %dma_start3A_135 : memref<1x16x1024xf32, #tpu.memory_space<vmem>> -> memref<16x1024xf32, #tpu.memory_space<vmem>>
      %dma_start3A_137 = arith.constant 0 : i32
      %dma_start3A_138 = tpu.memref_slice %arg8[%dma_start3A_137] : memref<1584xi32, #tpu.memory_space<vmem>> -> memref<16xi32, #tpu.memory_space<vmem>>
      %dma_start3A_139 = arith.constant 0 : i32
      %dma_start3A_140 = arith.constant 0 : i32
      %dma_start3A_141 = tpu.memref_slice %arg3[%dma_start3A_139, %dma_start3A_140] : memref<8192x1024xf32, #tpu.memory_space<hbm>> -> memref<8192x1024xf32, #tpu.memory_space<hbm>>
      tpu.enqueue_indirect_dma source(%dma_start3A_141 : memref<8192x1024xf32, #tpu.memory_space<hbm>>) target(%dma_start3A_136 : memref<16x1024xf32, #tpu.memory_space<vmem>>) offsets(%dma_start3A_138 : memref<16xi32, #tpu.memory_space<vmem>>) semaphore(%arg11 : memref<!tpu.dma_semaphore, #tpu.memory_space<semaphore_mem>>)
      %while3A = arith.constant 0 : i32
      %while3A_142 = arith.constant 0 : i32
      %while3A_143 = arith.subi %select_n3A_132, %while3A : i32
      %while3A_144 = arith.addi %while3A, %while3A_143 : i32
      %while3A_145 = arith.constant 1 : i32
      %while3A_146 = arith.divsi %while3A_143, %while3A_145 : i32
      %while3A_147 = arith.muli %while3A_146, %while3A_145 : i32
      %while3A_148 = arith.addi %while3A, %while3A_147 : i32
      %while3A_149 = arith.constant 1 : i32
      %while3A_150 = scf.for %while3A_181 = %while3A to %while3A_148 step %while3A_149 iter_args(%while3A_182 = %while3A_142) -> (i32)  : i32 {
        %jit3A_183 = arith.constant 2 : i32
        %eq3A_184 = arith.constant 0 : i32
        %eq3A_185 = arith.cmpi eq, %jit3A_183, %eq3A_184 : i32
        %jit3A_186 = arith.constant 1 : i32
        %select_n3A_187 = arith.select %eq3A_185, %jit3A_186, %jit3A_183 : i32
        %rem3A_188 = arith.remsi %while3A_181, %select_n3A_187 : i32
        %ne3A_189 = arith.constant 0 : i32
        %ne3A_190 = arith.cmpi ne, %rem3A_188, %ne3A_189 : i32
        %lt3A_191 = arith.constant 0 : i32
        %lt3A_192 = arith.cmpi slt, %rem3A_188, %lt3A_191 : i32
        %lt3A_193 = arith.constant 0 : i32
        %lt3A_194 = arith.cmpi slt, %select_n3A_187, %lt3A_193 : i32
        %ne3A_195 = arith.xori %lt3A_192, %lt3A_194 : i1
        %and3A_196 = arith.andi %ne3A_195, %ne3A_190 : i1
        %add3A_197 = arith.addi %rem3A_188, %select_n3A_187 : i32
        %select_n3A_198 = arith.select %and3A_196, %add3A_197, %rem3A_188 : i32
        %gt3A_199 = arith.constant 0 : i32
        %gt3A_200 = arith.cmpi sgt, %while3A_181, %gt3A_199 : i32
        %convert_element_type3A_201 = arith.extui %gt3A_200 : i1 to i32
        %cond3A_202 = arith.constant 0 : i32
        %cond3A_203 = arith.cmpi ne, %convert_element_type3A_201, %cond3A_202 : i32
        scf.if %cond3A_203 {
          %sub3A_231 = arith.constant 1 : i32
          %sub3A_232 = arith.subi %while3A_181, %sub3A_231 : i32
          %sub3A_233 = arith.constant 1 : i32
          %sub3A_234 = arith.subi %sub3A_233, %select_n3A_198 : i32
          %mul3A_235 = arith.constant 16 : i32
          %mul3A_236 = arith.muli %sub3A_232, %mul3A_235 : i32
          %dma_wait3A_237 = arith.constant 0 : i32
          %dma_wait3A_238 = arith.constant 0 : i32
          %dma_wait3A_239 = tpu.memref_slice %arg10[%sub3A_234, %dma_wait3A_237, %dma_wait3A_238] : memref<2x16x1024xf32, #tpu.memory_space<vmem>> -> memref<1x16x1024xf32, #tpu.memory_space<vmem>>
          %dma_wait3A_240 = tpu.memref_squeeze %dma_wait3A_239 : memref<1x16x1024xf32, #tpu.memory_space<vmem>> -> memref<16x1024xf32, #tpu.memory_space<vmem>>
          %dma_wait3A_241 = tpu.memref_slice %arg9[%mul3A_236] : memref<1584xi32, #tpu.memory_space<vmem>> -> memref<16xi32, #tpu.memory_space<vmem>>
          %dma_wait3A_242 = arith.constant 0 : i32
          %dma_wait3A_243 = arith.constant 0 : i32
          %dma_wait3A_244 = tpu.memref_slice %arg4[%dma_wait3A_242, %dma_wait3A_243] : memref<50000x1024xf32, #tpu.memory_space<hbm>> -> memref<50000x1024xf32, #tpu.memory_space<hbm>>
          tpu.wait_indirect_dma semaphore(%arg12 : memref<!tpu.dma_semaphore, #tpu.memory_space<semaphore_mem>>) src(%dma_wait3A_240 : memref<16x1024xf32, #tpu.memory_space<vmem>>) dst(%dma_wait3A_244 : memref<50000x1024xf32, #tpu.memory_space<hbm>>)
        } else {
        }
        %add3A_204 = arith.constant 1 : i32
        %add3A_205 = arith.addi %while3A_181, %add3A_204 : i32
        %lt3A_206 = arith.cmpi slt, %add3A_205, %select_n3A_132 : i32
        %convert_element_type3A_207 = arith.extui %lt3A_206 : i1 to i32
        %cond3A_208 = arith.constant 0 : i32
        %cond3A_209 = arith.cmpi ne, %convert_element_type3A_207, %cond3A_208 : i32
        scf.if %cond3A_209 {
          %add3A_231 = arith.constant 1 : i32
          %add3A_232 = arith.addi %while3A_181, %add3A_231 : i32
          %sub3A_233 = arith.constant 1 : i32
          %sub3A_234 = arith.subi %sub3A_233, %select_n3A_198 : i32
          %mul3A_235 = arith.constant 16 : i32
          %mul3A_236 = arith.muli %add3A_232, %mul3A_235 : i32
          %dma_start3A_237 = arith.constant 0 : i32
          %dma_start3A_238 = arith.constant 0 : i32
          %dma_start3A_239 = tpu.memref_slice %arg10[%sub3A_234, %dma_start3A_237, %dma_start3A_238] : memref<2x16x1024xf32, #tpu.memory_space<vmem>> -> memref<1x16x1024xf32, #tpu.memory_space<vmem>>
          %dma_start3A_240 = tpu.memref_squeeze %dma_start3A_239 : memref<1x16x1024xf32, #tpu.memory_space<vmem>> -> memref<16x1024xf32, #tpu.memory_space<vmem>>
          %dma_start3A_241 = tpu.memref_slice %arg8[%mul3A_236] : memref<1584xi32, #tpu.memory_space<vmem>> -> memref<16xi32, #tpu.memory_space<vmem>>
          %dma_start3A_242 = arith.constant 0 : i32
          %dma_start3A_243 = arith.constant 0 : i32
          %dma_start3A_244 = tpu.memref_slice %arg3[%dma_start3A_242, %dma_start3A_243] : memref<8192x1024xf32, #tpu.memory_space<hbm>> -> memref<8192x1024xf32, #tpu.memory_space<hbm>>
          tpu.enqueue_indirect_dma source(%dma_start3A_244 : memref<8192x1024xf32, #tpu.memory_space<hbm>>) target(%dma_start3A_240 : memref<16x1024xf32, #tpu.memory_space<vmem>>) offsets(%dma_start3A_241 : memref<16xi32, #tpu.memory_space<vmem>>) semaphore(%arg11 : memref<!tpu.dma_semaphore, #tpu.memory_space<semaphore_mem>>)
        } else {
        }
        %mul3A_210 = arith.constant 16 : i32
        %mul3A_211 = arith.muli %while3A_181, %mul3A_210 : i32
        %dma_wait3A_212 = arith.constant 0 : i32
        %dma_wait3A_213 = arith.constant 0 : i32
        %dma_wait3A_214 = tpu.memref_slice %arg10[%select_n3A_198, %dma_wait3A_212, %dma_wait3A_213] : memref<2x16x1024xf32, #tpu.memory_space<vmem>> -> memref<1x16x1024xf32, #tpu.memory_space<vmem>>
        %dma_wait3A_215 = tpu.memref_squeeze %dma_wait3A_214 : memref<1x16x1024xf32, #tpu.memory_space<vmem>> -> memref<16x1024xf32, #tpu.memory_space<vmem>>
        %dma_wait3A_216 = tpu.memref_slice %arg8[%mul3A_211] : memref<1584xi32, #tpu.memory_space<vmem>> -> memref<16xi32, #tpu.memory_space<vmem>>
        %dma_wait3A_217 = arith.constant 0 : i32
        %dma_wait3A_218 = arith.constant 0 : i32
        %dma_wait3A_219 = tpu.memref_slice %arg3[%dma_wait3A_217, %dma_wait3A_218] : memref<8192x1024xf32, #tpu.memory_space<hbm>> -> memref<8192x1024xf32, #tpu.memory_space<hbm>>
        tpu.wait_indirect_dma semaphore(%arg11 : memref<!tpu.dma_semaphore, #tpu.memory_space<semaphore_mem>>) src(%dma_wait3A_219 : memref<8192x1024xf32, #tpu.memory_space<hbm>>) dst(%dma_wait3A_215 : memref<16x1024xf32, #tpu.memory_space<vmem>>)
        %mul3A_220 = arith.constant 16 : i32
        %mul3A_221 = arith.muli %while3A_181, %mul3A_220 : i32
        %dma_start3A_222 = arith.constant 0 : i32
        %dma_start3A_223 = arith.constant 0 : i32
        %dma_start3A_224 = tpu.memref_slice %arg10[%select_n3A_198, %dma_start3A_222, %dma_start3A_223] : memref<2x16x1024xf32, #tpu.memory_space<vmem>> -> memref<1x16x1024xf32, #tpu.memory_space<vmem>>
        %dma_start3A_225 = tpu.memref_squeeze %dma_start3A_224 : memref<1x16x1024xf32, #tpu.memory_space<vmem>> -> memref<16x1024xf32, #tpu.memory_space<vmem>>
        %dma_start3A_226 = tpu.memref_slice %arg9[%mul3A_221] : memref<1584xi32, #tpu.memory_space<vmem>> -> memref<16xi32, #tpu.memory_space<vmem>>
        %dma_start3A_227 = arith.constant 0 : i32
        %dma_start3A_228 = arith.constant 0 : i32
        %dma_start3A_229 = tpu.memref_slice %arg4[%dma_start3A_227, %dma_start3A_228] : memref<50000x1024xf32, #tpu.memory_space<hbm>> -> memref<50000x1024xf32, #tpu.memory_space<hbm>>
        tpu.enqueue_indirect_dma source(%dma_start3A_225 : memref<16x1024xf32, #tpu.memory_space<vmem>>) target(%dma_start3A_229 : memref<50000x1024xf32, #tpu.memory_space<hbm>>) offsets(%dma_start3A_226 : memref<16xi32, #tpu.memory_space<vmem>>) semaphore(%arg12 : memref<!tpu.dma_semaphore, #tpu.memory_space<semaphore_mem>>)
        %while3A_230 = arith.constant 0 : i32
        scf.yield %while3A_230 : i32
      }
      %while3A_151 = arith.constant 1 : i32
      %while3A_152 = scf.for %while3A_181 = %while3A_148 to %while3A_144 step %while3A_151 iter_args(%while3A_182 = %while3A_150) -> (i32)  : i32 {
        %jit3A_183 = arith.constant 2 : i32
        %eq3A_184 = arith.constant 0 : i32
        %eq3A_185 = arith.cmpi eq, %jit3A_183, %eq3A_184 : i32
        %jit3A_186 = arith.constant 1 : i32
        %select_n3A_187 = arith.select %eq3A_185, %jit3A_186, %jit3A_183 : i32
        %rem3A_188 = arith.remsi %while3A_181, %select_n3A_187 : i32
        %ne3A_189 = arith.constant 0 : i32
        %ne3A_190 = arith.cmpi ne, %rem3A_188, %ne3A_189 : i32
        %lt3A_191 = arith.constant 0 : i32
        %lt3A_192 = arith.cmpi slt, %rem3A_188, %lt3A_191 : i32
        %lt3A_193 = arith.constant 0 : i32
        %lt3A_194 = arith.cmpi slt, %select_n3A_187, %lt3A_193 : i32
        %ne3A_195 = arith.xori %lt3A_192, %lt3A_194 : i1
        %and3A_196 = arith.andi %ne3A_195, %ne3A_190 : i1
        %add3A_197 = arith.addi %rem3A_188, %select_n3A_187 : i32
        %select_n3A_198 = arith.select %and3A_196, %add3A_197, %rem3A_188 : i32
        %gt3A_199 = arith.constant 0 : i32
        %gt3A_200 = arith.cmpi sgt, %while3A_181, %gt3A_199 : i32
        %convert_element_type3A_201 = arith.extui %gt3A_200 : i1 to i32
        %cond3A_202 = arith.constant 0 : i32
        %cond3A_203 = arith.cmpi ne, %convert_element_type3A_201, %cond3A_202 : i32
        scf.if %cond3A_203 {
          %sub3A_231 = arith.constant 1 : i32
          %sub3A_232 = arith.subi %while3A_181, %sub3A_231 : i32
          %sub3A_233 = arith.constant 1 : i32
          %sub3A_234 = arith.subi %sub3A_233, %select_n3A_198 : i32
          %mul3A_235 = arith.constant 16 : i32
          %mul3A_236 = arith.muli %sub3A_232, %mul3A_235 : i32
          %dma_wait3A_237 = arith.constant 0 : i32
          %dma_wait3A_238 = arith.constant 0 : i32
          %dma_wait3A_239 = tpu.memref_slice %arg10[%sub3A_234, %dma_wait3A_237, %dma_wait3A_238] : memref<2x16x1024xf32, #tpu.memory_space<vmem>> -> memref<1x16x1024xf32, #tpu.memory_space<vmem>>
          %dma_wait3A_240 = tpu.memref_squeeze %dma_wait3A_239 : memref<1x16x1024xf32, #tpu.memory_space<vmem>> -> memref<16x1024xf32, #tpu.memory_space<vmem>>
          %dma_wait3A_241 = tpu.memref_slice %arg9[%mul3A_236] : memref<1584xi32, #tpu.memory_space<vmem>> -> memref<16xi32, #tpu.memory_space<vmem>>
          %dma_wait3A_242 = arith.constant 0 : i32
          %dma_wait3A_243 = arith.constant 0 : i32
          %dma_wait3A_244 = tpu.memref_slice %arg4[%dma_wait3A_242, %dma_wait3A_243] : memref<50000x1024xf32, #tpu.memory_space<hbm>> -> memref<50000x1024xf32, #tpu.memory_space<hbm>>
          tpu.wait_indirect_dma semaphore(%arg12 : memref<!tpu.dma_semaphore, #tpu.memory_space<semaphore_mem>>) src(%dma_wait3A_240 : memref<16x1024xf32, #tpu.memory_space<vmem>>) dst(%dma_wait3A_244 : memref<50000x1024xf32, #tpu.memory_space<hbm>>)
        } else {
        }
        %add3A_204 = arith.constant 1 : i32
        %add3A_205 = arith.addi %while3A_181, %add3A_204 : i32
        %lt3A_206 = arith.cmpi slt, %add3A_205, %select_n3A_132 : i32
        %convert_element_type3A_207 = arith.extui %lt3A_206 : i1 to i32
        %cond3A_208 = arith.constant 0 : i32
        %cond3A_209 = arith.cmpi ne, %convert_element_type3A_207, %cond3A_208 : i32
        scf.if %cond3A_209 {
          %add3A_231 = arith.constant 1 : i32
          %add3A_232 = arith.addi %while3A_181, %add3A_231 : i32
          %sub3A_233 = arith.constant 1 : i32
          %sub3A_234 = arith.subi %sub3A_233, %select_n3A_198 : i32
          %mul3A_235 = arith.constant 16 : i32
          %mul3A_236 = arith.muli %add3A_232, %mul3A_235 : i32
          %dma_start3A_237 = arith.constant 0 : i32
          %dma_start3A_238 = arith.constant 0 : i32
          %dma_start3A_239 = tpu.memref_slice %arg10[%sub3A_234, %dma_start3A_237, %dma_start3A_238] : memref<2x16x1024xf32, #tpu.memory_space<vmem>> -> memref<1x16x1024xf32, #tpu.memory_space<vmem>>
          %dma_start3A_240 = tpu.memref_squeeze %dma_start3A_239 : memref<1x16x1024xf32, #tpu.memory_space<vmem>> -> memref<16x1024xf32, #tpu.memory_space<vmem>>
          %dma_start3A_241 = tpu.memref_slice %arg8[%mul3A_236] : memref<1584xi32, #tpu.memory_space<vmem>> -> memref<16xi32, #tpu.memory_space<vmem>>
          %dma_start3A_242 = arith.constant 0 : i32
          %dma_start3A_243 = arith.constant 0 : i32
          %dma_start3A_244 = tpu.memref_slice %arg3[%dma_start3A_242, %dma_start3A_243] : memref<8192x1024xf32, #tpu.memory_space<hbm>> -> memref<8192x1024xf32, #tpu.memory_space<hbm>>
          tpu.enqueue_indirect_dma source(%dma_start3A_244 : memref<8192x1024xf32, #tpu.memory_space<hbm>>) target(%dma_start3A_240 : memref<16x1024xf32, #tpu.memory_space<vmem>>) offsets(%dma_start3A_241 : memref<16xi32, #tpu.memory_space<vmem>>) semaphore(%arg11 : memref<!tpu.dma_semaphore, #tpu.memory_space<semaphore_mem>>)
        } else {
        }
        %mul3A_210 = arith.constant 16 : i32
        %mul3A_211 = arith.muli %while3A_181, %mul3A_210 : i32
        %dma_wait3A_212 = arith.constant 0 : i32
        %dma_wait3A_213 = arith.constant 0 : i32
        %dma_wait3A_214 = tpu.memref_slice %arg10[%select_n3A_198, %dma_wait3A_212, %dma_wait3A_213] : memref<2x16x1024xf32, #tpu.memory_space<vmem>> -> memref<1x16x1024xf32, #tpu.memory_space<vmem>>
        %dma_wait3A_215 = tpu.memref_squeeze %dma_wait3A_214 : memref<1x16x1024xf32, #tpu.memory_space<vmem>> -> memref<16x1024xf32, #tpu.memory_space<vmem>>
        %dma_wait3A_216 = tpu.memref_slice %arg8[%mul3A_211] : memref<1584xi32, #tpu.memory_space<vmem>> -> memref<16xi32, #tpu.memory_space<vmem>>
        %dma_wait3A_217 = arith.constant 0 : i32
        %dma_wait3A_218 = arith.constant 0 : i32
        %dma_wait3A_219 = tpu.memref_slice %arg3[%dma_wait3A_217, %dma_wait3A_218] : memref<8192x1024xf32, #tpu.memory_space<hbm>> -> memref<8192x1024xf32, #tpu.memory_space<hbm>>
        tpu.wait_indirect_dma semaphore(%arg11 : memref<!tpu.dma_semaphore, #tpu.memory_space<semaphore_mem>>) src(%dma_wait3A_219 : memref<8192x1024xf32, #tpu.memory_space<hbm>>) dst(%dma_wait3A_215 : memref<16x1024xf32, #tpu.memory_space<vmem>>)
        %mul3A_220 = arith.constant 16 : i32
        %mul3A_221 = arith.muli %while3A_181, %mul3A_220 : i32
        %dma_start3A_222 = arith.constant 0 : i32
        %dma_start3A_223 = arith.constant 0 : i32
        %dma_start3A_224 = tpu.memref_slice %arg10[%select_n3A_198, %dma_start3A_222, %dma_start3A_223] : memref<2x16x1024xf32, #tpu.memory_space<vmem>> -> memref<1x16x1024xf32, #tpu.memory_space<vmem>>
        %dma_start3A_225 = tpu.memref_squeeze %dma_start3A_224 : memref<1x16x1024xf32, #tpu.memory_space<vmem>> -> memref<16x1024xf32, #tpu.memory_space<vmem>>
        %dma_start3A_226 = tpu.memref_slice %arg9[%mul3A_221] : memref<1584xi32, #tpu.memory_space<vmem>> -> memref<16xi32, #tpu.memory_space<vmem>>
        %dma_start3A_227 = arith.constant 0 : i32
        %dma_start3A_228 = arith.constant 0 : i32
        %dma_start3A_229 = tpu.memref_slice %arg4[%dma_start3A_227, %dma_start3A_228] : memref<50000x1024xf32, #tpu.memory_space<hbm>> -> memref<50000x1024xf32, #tpu.memory_space<hbm>>
        tpu.enqueue_indirect_dma source(%dma_start3A_225 : memref<16x1024xf32, #tpu.memory_space<vmem>>) target(%dma_start3A_229 : memref<50000x1024xf32, #tpu.memory_space<hbm>>) offsets(%dma_start3A_226 : memref<16xi32, #tpu.memory_space<vmem>>) semaphore(%arg12 : memref<!tpu.dma_semaphore, #tpu.memory_space<semaphore_mem>>)
        %while3A_230 = arith.constant 0 : i32
        scf.yield %while3A_230 : i32
      }
      %sub3A_153 = arith.constant 1 : i32
      %sub3A_154 = arith.subi %select_n3A_132, %sub3A_153 : i32
      %sub3A_155 = arith.constant 1 : i32
      %sub3A_156 = arith.subi %select_n3A_132, %sub3A_155 : i32
      %jit3A_157 = arith.constant 2 : i32
      %eq3A = arith.constant 0 : i32
      %eq3A_158 = arith.cmpi eq, %jit3A_157, %eq3A : i32
      %jit3A_159 = arith.constant 1 : i32
      %select_n3A_160 = arith.select %eq3A_158, %jit3A_159, %jit3A_157 : i32
      %rem3A_161 = arith.remsi %sub3A_156, %select_n3A_160 : i32
      %ne3A_162 = arith.constant 0 : i32
      %ne3A_163 = arith.cmpi ne, %rem3A_161, %ne3A_162 : i32
      %lt3A_164 = arith.constant 0 : i32
      %lt3A_165 = arith.cmpi slt, %rem3A_161, %lt3A_164 : i32
      %lt3A_166 = arith.constant 0 : i32
      %lt3A_167 = arith.cmpi slt, %select_n3A_160, %lt3A_166 : i32
      %ne3A_168 = arith.xori %lt3A_165, %lt3A_167 : i1
      %and3A_169 = arith.andi %ne3A_168, %ne3A_163 : i1
      %add3A_170 = arith.addi %rem3A_161, %select_n3A_160 : i32
      %select_n3A_171 = arith.select %and3A_169, %add3A_170, %rem3A_161 : i32
      %mul3A_172 = arith.constant 16 : i32
      %mul3A_173 = arith.muli %sub3A_154, %mul3A_172 : i32
      %dma_wait3A = arith.constant 0 : i32
      %dma_wait3A_174 = arith.constant 0 : i32
      %dma_wait3A_175 = tpu.memref_slice %arg10[%select_n3A_171, %dma_wait3A, %dma_wait3A_174] : memref<2x16x1024xf32, #tpu.memory_space<vmem>> -> memref<1x16x1024xf32, #tpu.memory_space<vmem>>
      %dma_wait3A_176 = tpu.memref_squeeze %dma_wait3A_175 : memref<1x16x1024xf32, #tpu.memory_space<vmem>> -> memref<16x1024xf32, #tpu.memory_space<vmem>>
      %dma_wait3A_177 = tpu.memref_slice %arg9[%mul3A_173] : memref<1584xi32, #tpu.memory_space<vmem>> -> memref<16xi32, #tpu.memory_space<vmem>>
      %dma_wait3A_178 = arith.constant 0 : i32
      %dma_wait3A_179 = arith.constant 0 : i32
      %dma_wait3A_180 = tpu.memref_slice %arg4[%dma_wait3A_178, %dma_wait3A_179] : memref<50000x1024xf32, #tpu.memory_space<hbm>> -> memref<50000x1024xf32, #tpu.memory_space<hbm>>
      tpu.wait_indirect_dma semaphore(%arg12 : memref<!tpu.dma_semaphore, #tpu.memory_space<semaphore_mem>>) src(%dma_wait3A_176 : memref<16x1024xf32, #tpu.memory_space<vmem>>) dst(%dma_wait3A_180 : memref<50000x1024xf32, #tpu.memory_space<hbm>>)
    } else {
    }
    return
  }
}

</mosaic_0001>

<sc_bundles>
// kernel: kernel.3.cloned.1.call-start
scs
__scs_entry_jumppad:
0x0: {  	(pc) =	sbr.rel $0x88, $3  }
0x1: {  	(tag) =	ssettag $0x0;
	lr =	simm.s32 $0x1  }
0x2: {  	[smem:$0x3F9E] =	sst lr;
	_ =	strace $0xD0000000  }
0x3: {  	_ = 	snop  }
0x4: {  	_ = 	snop  }
0x5: {  	_ = 	snop  }
0x6: {  	_ = 	snop  }
0x7: {  	_ = 	snop  }
__scs_overlays_trampoline_lowered:
0x8: {  	[smem:$0x3FAD] =	sst s0  }
0x9: {  	[smem:$0x3FAE] =	sst s1  }
0xa: {  	[smem:$0x3FAF] =	sst s2  }
0xb: {  	[smem:$0x3FB0] =	sst s3  }
0xc: {  	[smem:$0x3FB1] =	sst s4  }
0xd: {  	[smem:$0x3FB2] =	sst s5  }
0xe: {  	[smem:$0x3FB3] =	sst s6  }
0xf: {  	[smem:$0x3FB4] =	sst s7  }
0x10: {  	[smem:$0x3FB5] =	sst s8  }
0x11: {  	[smem:$0x3FB6] =	sst s9;
	s0 =	simm.s32 @!p0 $0x0  }
0x12: {  	s1 =	sld [smem:$0x3F9C];
	s0 =	simm.s32 @p0 $0x1  }
0x13: {  	[smem:$0x3FB7] =	sst s0;
	s0 =	simm.s32 @!p1 $0x0  }
0x14: {  	s2 =	sld [smem:$0x3F9B];
	s0 =	simm.s32 @p1 $0x1  }
0x15: {  	[smem:$0x3FB8] =	sst s0;
	s0 =	simm.s32 @!p2 $0x0  }
0x16: {  	s3 =	sld [smem:$0x3FDB];
	s0 =	simm.s32 @p2 $0x1  }
0x17: {  	s4 =	simm.s32 $0x1BF5;
	[smem:$0x3FBA] =	sst s0  }
0x18: {  	s0 =	sld [smem:$0x3F9D];
	_ =	swait.ge [sflag:s4], $0x0  }
0x19: {  	s7 =	sld [smem:$0x3F9E]  }
0x1a: {  	s8 =	sadd.s32 $0xFFFFE003, lr  }
0x1b: {  	s9 =	sadd.s32 $0xFFFFFEF7, lr;
	s5 =	simm.s32 $0xFFFFFFFF;
	p2 =	slt.u32 s8, $0xFFFFF086  }
0x1c: {  	p1 =	slt.u32 s9, $0xF7A;
	s5 =	simm.s32 @!p2 $0x0  }
0x1d: {  	s5 =	simm.s32 @p1 $0x1;
	p0 =	seq.s32 s7, s2  }
0x1e: {  	s7 =	smul.u32 @!p0 $0xF7A, s2;
	p2 =	seq.s32 @!p0 s5, $0x0  }
0x1f: {  	s9 =	smul.u32 $0xF7A, s1;
	s8 =	simm.s32 @!p0 $0x1BF5;
	p2 =	por !p2, p0  }
0x20: {  	[sflag:s8] =	ssyncset.s32 @!p0 $0xFFFFF086;
	s6 =	sadd.s32 @!p0 s3, s7;
	s7 =	simm.s32 @!p0 $0x108  }
0x21: {  	s3 =	sadd.s32 s3, s9;
	s6 =	sadd.s32 @!p0 $0x88, s6;
	s7 =	simm.s32 @p2 $0x1082  }
0x22: {  	[simem:s7], [sflag:s8] =	dma.local @!p0 [hbm:s6], $0xF7A  }
0x23: {  	s9 =	sor.u32 $0xD0000000, s2;
	s6 =	simm.s32 $0x108;
	_ =	swait.ge @!p0 [sflag:s8], $0x0  }
0x24: {  	s3 =	sadd.s32 $0x88, s3;
	s6 =	simm.s32 @!p1 $0x1082;
	[sflag:s4] =	ssyncset.s32 $0xFFFFF086  }
0x25: {  	[simem:s6], [sflag:s4] =	dma.local [hbm:s3], $0xF7A  }
0x26: {  	[smem:$0x3F9E] =	sst s1;
	(tag) =	ssettag s2;
	_ =	strace s9  }
0x27: {  	s1 =	sld [smem:$0x3FAE]  }
0x28: {  	s2 =	sld [smem:$0x3FAF]  }
0x29: {  	s4 =	sld [smem:$0x3FB1]  }
0x2a: {  	p0 =	seq.s32 s5, $0x0;
	s5 =	sld [smem:$0x3FB2]  }
0x2b: {  	s6 =	sld [smem:$0x3FB3]  }
0x2c: {  	s7 =	sld [smem:$0x3FB4]  }
0x2d: {  	s3 =	simm.s32 $0x108;
	s8 =	sld [smem:$0x3FB5]  }
0x2e: {  	s3 =	simm.s32 @!p0 $0x1082;
	s9 =	sld [smem:$0x3FB6]  }
0x2f: {  	lr =	sadd.s32 s0, s3;
	s0 =	sld [smem:$0x3FAD]  }
0x30: {  	s3 =	sld [smem:$0x3FB0]  }
0x31: {  	[smem:$0x3FB9] =	sst s10  }
0x32: {  	s10 =	sld [smem:$0x3FB7];
	_ =	sdelay $0x3  }
0x33: {  	p0 =	seq.s32 s10, $0x1;
	s10 =	sld [smem:$0x3FB9];
	_ =	sdelay $0x3  }
0x34: {  	[smem:$0x3FB9] =	sst s10  }
0x35: {  	s10 =	sld [smem:$0x3FB8];
	_ =	sdelay $0x3  }
0x36: {  	p1 =	seq.s32 s10, $0x1;
	s10 =	sld [smem:$0x3FB9];
	_ =	sdelay $0x3  }
0x37: {  	[smem:$0x3FB9] =	sst s10  }
0x38: {  	s10 =	sld [smem:$0x3FBA]  }
0x39: {  	_ = 	snop;
	(pc) =	sbr.ind lr, $3  }
0x3a: {  	_ = 	snop  }
0x3b: {  	_ = 	snop  }
0x3c: {  	p2 =	seq.s32 s10, $0x1;
	s10 =	sld [smem:$0x3FB9]  }
0x3d: {  	_ =	shalt  }
0x3e: {  	_ =	shalt  }
0x3f: {  	_ =	shalt  }
0x40: {  	_ =	shalt  }
0x41: {  	_ =	shalt  }
0x42: {  	_ =	shalt  }
0x43: {  	_ =	shalt  }
0x44: {  	_ =	shalt  }
0x45: {  	_ =	shalt  }
0x46: {  	_ =	shalt  }
0x47: {  	_ =	shalt  }
0x48: {  	_ =	shalt  }
0x49: {  	_ =	shalt  }
0x4a: {  	_ =	shalt  }
0x4b: {  	_ =	shalt  }
0x4c: {  	_ =	shalt  }
0x4d: {  	_ =	shalt  }
0x4e: {  	_ =	shalt  }
0x4f: {  	_ =	shalt  }
0x50: {  	_ =	shalt  }
0x51: {  	_ =	shalt  }
0x52: {  	_ =	shalt  }
0x53: {  	_ =	shalt  }
0x54: {  	_ =	shalt  }
0x55: {  	_ =	shalt  }
0x56: {  	_ =	shalt  }
0x57: {  	_ =	shalt  }
0x58: {  	_ =	shalt  }
0x59: {  	_ =	shalt  }
0x5a: {  	_ =	shalt  }
0x5b: {  	_ =	shalt  }
0x5c: {  	_ =	shalt  }
0x5d: {  	_ =	shalt  }
0x5e: {  	_ =	shalt  }
0x5f: {  	_ =	shalt  }
0x60: {  	_ =	shalt  }
0x61: {  	_ =	shalt  }
0x62: {  	_ =	shalt  }
0x63: {  	_ =	shalt  }
0x64: {  	_ =	shalt  }
0x65: {  	_ =	shalt  }
0x66: {  	_ =	shalt  }
0x67: {  	_ =	shalt  }
0x68: {  	_ =	shalt  }
0x69: {  	_ =	shalt  }
0x6a: {  	_ =	shalt  }
0x6b: {  	_ =	shalt  }
0x6c: {  	_ =	shalt  }
0x6d: {  	_ =	shalt  }
0x6e: {  	_ =	shalt  }
0x6f: {  	_ =	shalt  }
0x70: {  	_ =	shalt  }
0x71: {  	_ =	shalt  }
0x72: {  	_ =	shalt  }
0x73: {  	_ =	shalt  }
0x74: {  	_ =	shalt  }
0x75: {  	_ =	shalt  }
0x76: {  	_ =	shalt  }
0x77: {  	_ =	shalt  }
0x78: {  	_ =	shalt  }
0x79: {  	_ =	shalt  }
0x7a: {  	_ =	shalt  }
0x7b: {  	_ =	shalt  }
0x7c: {  	_ =	shalt  }
0x7d: {  	_ =	shalt  }
0x7e: {  	_ =	shalt  }
0x7f: {  	_ =	shalt  }
0x80: {  	_ =	shalt  }
0x81: {  	_ =	shalt  }
0x82: {  	_ =	shalt  }
0x83: {  	_ =	shalt  }
0x84: {  	_ =	shalt  }
0x85: {  	_ =	shalt  }
0x86: {  	_ =	shalt  }
0x87: {  	_ =	shalt  }
.Lfunc_end0:
.L_simem_size_0:
called_computation_lowered:
.L_overlay_start_0:
0x88: {  	s2 =	sld [smem:$0x3FD9]  }
0x89: {  	s3 =	sld [smem:$0x3FFE];
	_ =	sdelay $0x1  }
0x8a: {  	s1 =	srdreg.scid  }
0x8b: {  	s0 =	sand.u32 $0x1, s1  }
0x8c: {  	s17 =	sshll.u32 s0, $0xA;
	s2 =	sadd.s32 s3, s2  }
0x8d: {  	s2 =	sadd.s32 s2, s17  }
0x8e: {  	[smem:$0x3FC5] =	sst s2  }
0x8f: {  	_ = 	snop  }
0x90: {  	s2 =	sld [smem:$0x3FC8]  }
0x91: {  	s18 =	sld [smem:$0x3FD0];
	(tm) =	ssettm $0x1  }
0x92: {  	s4 =	sld [smem:$0x3FFB];
	_ =	sdelay $0x3  }
0x93: {  	_ =	strace s4  }
0x94: {  	s4 =	sld [smem:$0x3FFC];
	_ =	sdelay $0x3  }
0x95: {  	_ =	strace s4  }
0x96: {  	s4 =	sld [smem:$0x3FFD];
	_ =	sdelay $0x3  }
0x97: {  	_ =	strace s4  }
0x98: {  	_ =	strace $0x8FFFFFFF  }
0x99: {  	s19 =	sld [smem:$0x3FDB];
	_ =	sdelay $0x1  }
0x9a: {  	s5 =	simm.s32 $_scs_section_size  }
0x9b: {  	s6 =	simm.s32 $_size__tile_overlayer_lowered;
	s7 =	simm.s32 $_tile_overlayer_lowered  }
0x9c: {  	s22 =	simm.s32 $0x1BFF;
	s21 =	sshll.u32 s7, $0x1;
	s4 =	sadd.s32 s5, s19  }
0x9d: {  	s8 =	simm.s32 $0x0;
	s20 =	sshll.u32 s6, $0x1;
	s6 =	sadd.s32 s21, s4  }
0x9e: {  	[timem:s8], [sflag:s22] =	dma.local [hbm:s6], s20  }
0x9f: {  	_ =	swait.ge [sflag:s22], s20  }
0xa0: {  	s5 =	ssub.s32 $0x0, s20;
	[sflag:s22] =	ssyncset.done $0x0  }
0xa1: {  	[sflag:s22] =	ssyncadd.s32 s5;
	_ =	sdelay $0x1  }
0xa2: {  	s23 =	simm.s32 $0x1B8B  }
0xa3: {  	_ =	swait.ge [sflag:s23], $0x1  }
0xa4: {  	[sflag:s23] =	ssyncset.done $0x0  }
0xa5: {  	s25 =	simm.s32 $0x1B8E;
	s24 =	sld [smem:$0x3FFE];
	[sflag:s23] =	ssyncadd.s32 $0xFFFFFFFF  }
0xa6: {  	s26 =	simm.s32 $execute0_lowered;
	[smem:$0x3FD2] =	sst s25  }
0xa7: {  	s6 =	sshll.u32 s26, $0x1;
	_ =	strace $0x80000046;
	[dreg:$0x1] =	wrdreg $0xFFFFFFFF  }
0xa8: {  	s28 =	simm.s32 $_size_execute0_lowered;
	s4 =	sadd.s32 s4, s6;
	[dreg:$0x0] =	wrdreg $0x0  }
0xa9: {  	s6 =	sshll.u32 s28, $0x1;
	[dreg:$0x2] =	wrdreg s4  }
0xaa: {  	[dreg:$0x3] =	wrdreg s6  }
0xab: {  	[dreg:$0x4] =	wrdreg $0xC0  }
0xac: {  	_ =	task [dreg:s8], $0x5FFFF  }
0xad: {  	[dreg:$0x1] =	wrdreg $0xFFFFFFFF  }
0xae: {  	[dreg:$0x0] =	wrdreg $0x60  }
0xaf: {  	[dreg:$0x2] =	wrdreg s2  }
0xb0: {  	[dreg:$0x3] =	wrdreg s18  }
0xb1: {  	[dreg:$0x4] =	wrdreg s24  }
0xb2: {  	[dreg:$0x5] =	wrdreg $0x9  }
0xb3: {  	_ =	task.clear_ibuf [dreg:s8], $0x6FFFF;
	_ =	strace $0x90000046  }
0xb4: {  	s29 =	simm.s32 $0x9;
	_ =	strace $0x80000048  }
0xb5: {  	_ =	swait.ge [sflag:s29], $0x1  }
0xb6: {  	[sflag:s29] =	ssyncadd.s32 $0xFFFFFFFF  }
0xb7: {  	_ =	strace $0x90000048  }
0xb8: {  	_ =	sfence  }
0xb9: {  	s30 =	sld [smem:$0x0];
	_ =	sdelay $0x2  }
0xba: {  	s31 =	sshll.u32 s1, $0xD;
	s1 =	sshrl.u32 s1, $0x2  }
0xbb: {  	s3 =	sand.u32 $0x4000, s31;
	s1 =	sadd.s32 s1, s30  }
0xbc: {  	s0 =	sor.u32 s3, s0;
	s1 =	sshll.u32 s1, $0x11  }
0xbd: {  	s0 =	sor.u32 s1, s0  }
0xbe: {  	s0 =	sadd.s32 $0x8F2B, s0  }
0xbf: {  	[sflag:s0] =	ssyncadd.remote.s32 $0x1  }
0xc0: {  	_ =	sfence.sel $0xFFFF  }
0xc1: {  	[dreg:$0x0] =	wrdreg $0xFFFFFFFF;
	(pc) =	sbr.abs _section_cstart, $3  }
0xc2: {  	[dreg:$0x1] =	wrdreg $0xFFFFFFFF  }
0xc3: {  	_ =	task.clear_ibuf [dreg:s8], $0x2FFFF;
	_ =	strace $0x9FFFFFFF  }
0xc4: {  	(tm) =	ssettm $0x7FFFFFFF  }
0xc5: {  	_ =	shalt  }
tec
execute0_lowered:
.L_overlay_start_1:
0x0: {  	(tag) =	ssettag $0x1  }
0x1: {  	s1 =	rddreg [dreg:$0x0];
	s0 =	srdreg.scid  }
0x2: {  	s7 =	stileid.u32;
	s3 =	rddreg [dreg:$0x1]  }
0x3: {  	s10 =	rddreg [dreg:$0x2];
	_ =	strace $0x80000047;
	s13 =	simm.s32 $0x0  }
0x4: {  	s14 =	simm.s32 $0x3;
	s16 =	simm.s32 $0x1;
	s20 =	simm.s32 $0x4B80  }
0x5: {  	s21 =	simm.s32 $0x5380;
	s22 =	simm.s32 $0x5B80;
	s23 =	simm.s32 $0x6380  }
0x6: {  	s24 =	simm.s32 $0x6B80;
	s25 =	simm.s32 $0x2;
	s26 =	simm.s32 $0x0  }
0x7: {  	s0 =	sand.u32 $0x1, s0;
	s2 =	sshll.u32 s7, $0x1;
	s4 =	sadd.s32 $0x400, s10  }
0x8: {  	s12 =	smul.u32 $0xC36, s7;
	s7 =	sadd.s32 $0x300, s3;
	s8 =	sadd.s32 $0x500, s10  }
0x9: {  	s5 =	ssub.s32 $0x2, s0;
	s2 =	sor.u32 s0, s2;
	s0 =	smul.u32 $0x61B, s0  }
.Ltmp0:
0xa: {  	s9 =	sadd.s32 $0x600, s10;
	s6 =	sshrl.u32 s5, $0x1;
	(pc) =	sbr.rel .LBB2_1-.Ltmp0, $4  }
0xb: {  	v2 =	vlaneseq.u32;
	v5 =	vimm.s32 $0xFFFFFFFF;
	v6 =	vimm.s32 $0x0;
	s10 =	sadd.s32 $0x700, s10;
	s2 =	smul.u32 $0x61B, s2;
	s11 =	ssub.s32 s5, s6  }
0xc: {  	vm0 =	vmmov $0xffff;
	v7 =	vand.u32 $0x7, v2;
	v8 =	vshrl.u32 v2, $0x3;
	s5 =	sadd.s32 $0x100, s3;
	s6 =	sadd.s32 $0x200, s3;
	s12 =	sadd.s32 s0, s12  }
0xd: {  	v9 =	vor.u32 $0x8, v2;
	v8 =	vmul.u32 $0x8, v8;
	s15 =	sadd.s32 $0x61B, s2;
	s18 =	sadd.s32 $0x600, s2;
	s19 =	sadd.s32 $0x610, s2;
	v0 =	vmov s2  }
0xe: {  	s11 =	smax.u32 s11, $0x1;
	v1 =	vmov s15;
	s15 =	simm.s32 $0x2000;
	v3 =	vadd.s32 s18, v2;
	v4 =	vadd.s32 s19, v2;
	s19 =	simm.s32 $0x4380  }
.LBB2_9:
0xf: {  	_ =	swait.ge [sflag:s25], $0x4000  }
0x10: {  	[sflag:s25] =	ssyncset.done $0x0  }
0x11: {  	[sflag:s25] =	ssyncadd.s32 $0xFFFFC000  }
.LBB2_10:
0x12: {  	s26 =	sadd.s32 $0x1, s26  }
0x13: {  	p0 =	sne.s32 s26, s11  }
.Ltmp1:
0x14: {  	_ = 	snop;
	(pc) =	sbr.rel @!p0 .LBB2_11-.Ltmp1, $1  }
0x15: {  	_ =	sdelay $0x3  }
.LBB2_1:
0x16: {  	[tilespmem:s13], [sflag:$0x3] =	stream.linear.gather [hbm4b:s1+s13], $0x2000, $0x38;
	[tilespmem:$0xB380] =	vst v63  }
0x17: {  	_ =	swait.ge [sflag:s14], $0x2000  }
0x18: {  	[sflag:s14] =	ssyncset.done $0x0  }
0x19: {  	[sflag:s14] =	ssyncadd.s32 $0xFFFFE000  }
0x1a: {  	[tilespmem:$0x2000] =	vst v5  }
0x1b: {  	[tilespmem:$0x2010] =	vst v5  }
0x1c: {  	[tilespmem:$0x2020] =	vst v5  }
0x1d: {  	[tilespmem:$0x2030] =	vst v5  }
0x1e: {  	[tilespmem:$0x2040] =	vst v5  }
0x1f: {  	[tilespmem:$0x2050] =	vst v5  }
0x20: {  	[tilespmem:$0x2060] =	vst v5  }
0x21: {  	[tilespmem:$0x2070] =	vst v5  }
0x22: {  	[tilespmem:$0x2080] =	vst v5  }
0x23: {  	[tilespmem:$0x2090] =	vst v5  }
0x24: {  	[tilespmem:$0x20A0] =	vst v5  }
0x25: {  	[tilespmem:$0x20B0] =	vst v5  }
0x26: {  	[tilespmem:$0x20C0] =	vst v5  }
0x27: {  	[tilespmem:$0x20D0] =	vst v5  }
0x28: {  	[tilespmem:$0x20E0] =	vst v5  }
0x29: {  	[tilespmem:$0x20F0] =	vst v5  }
0x2a: {  	[tilespmem:$0x2100] =	vst v5  }
0x2b: {  	[tilespmem:$0x2110] =	vst v5  }
0x2c: {  	[tilespmem:$0x2120] =	vst v5  }
0x2d: {  	[tilespmem:$0x2130] =	vst v5  }
0x2e: {  	[tilespmem:$0x2140] =	vst v5  }
0x2f: {  	[tilespmem:$0x2150] =	vst v5  }
0x30: {  	[tilespmem:$0x2160] =	vst v5  }
0x31: {  	[tilespmem:$0x2170] =	vst v5  }
0x32: {  	[tilespmem:$0x2180] =	vst v5  }
0x33: {  	[tilespmem:$0x2190] =	vst v5  }
0x34: {  	[tilespmem:$0x21A0] =	vst v5  }
0x35: {  	[tilespmem:$0x21B0] =	vst v5  }
0x36: {  	[tilespmem:$0x21C0] =	vst v5  }
0x37: {  	[tilespmem:$0x21D0] =	vst v5  }
0x38: {  	[tilespmem:$0x21E0] =	vst v5  }
0x39: {  	[tilespmem:$0x21F0] =	vst v5  }
0x3a: {  	[tilespmem:$0x2200] =	vst v5  }
0x3b: {  	[tilespmem:$0x2210] =	vst v5  }
0x3c: {  	[tilespmem:$0x2220] =	vst v5  }
0x3d: {  	[tilespmem:$0x2230] =	vst v5  }
0x3e: {  	[tilespmem:$0x2240] =	vst v5  }
0x3f: {  	[tilespmem:$0x2250] =	vst v5  }
0x40: {  	[tilespmem:$0x2260] =	vst v5  }
0x41: {  	[tilespmem:$0x2270] =	vst v5  }
0x42: {  	[tilespmem:$0x2280] =	vst v5  }
0x43: {  	[tilespmem:$0x2290] =	vst v5  }
0x44: {  	[tilespmem:$0x22A0] =	vst v5  }
0x45: {  	[tilespmem:$0x22B0] =	vst v5  }
0x46: {  	[tilespmem:$0x22C0] =	vst v5  }
0x47: {  	[tilespmem:$0x22D0] =	vst v5  }
0x48: {  	[tilespmem:$0x22E0] =	vst v5  }
0x49: {  	[tilespmem:$0x22F0] =	vst v5  }
0x4a: {  	[tilespmem:$0x2300] =	vst v5  }
0x4b: {  	[tilespmem:$0x2310] =	vst v5  }
0x4c: {  	[tilespmem:$0x2320] =	vst v5  }
0x4d: {  	[tilespmem:$0x2330] =	vst v5  }
0x4e: {  	[tilespmem:$0x2340] =	vst v5  }
0x4f: {  	[tilespmem:$0x2350] =	vst v5  }
0x50: {  	[tilespmem:$0x2360] =	vst v5  }
0x51: {  	[tilespmem:$0x2370] =	vst v5  }
0x52: {  	[tilespmem:$0x2380] =	vst v5  }
0x53: {  	[tilespmem:$0x2390] =	vst v5  }
0x54: {  	[tilespmem:$0x23A0] =	vst v5  }
0x55: {  	[tilespmem:$0x23B0] =	vst v5  }
0x56: {  	[tilespmem:$0x23C0] =	vst v5  }
0x57: {  	[tilespmem:$0x23D0] =	vst v5  }
0x58: {  	[tilespmem:$0x23E0] =	vst v5  }
0x59: {  	[tilespmem:$0x23F0] =	vst v5  }
0x5a: {  	[tilespmem:$0x2400] =	vst v5  }
0x5b: {  	[tilespmem:$0x2410] =	vst v5  }
0x5c: {  	[tilespmem:$0x2420] =	vst v5  }
0x5d: {  	[tilespmem:$0x2430] =	vst v5  }
0x5e: {  	[tilespmem:$0x2440] =	vst v5  }
0x5f: {  	[tilespmem:$0x2450] =	vst v5  }
0x60: {  	[tilespmem:$0x2460] =	vst v5  }
0x61: {  	[tilespmem:$0x2470] =	vst v5  }
0x62: {  	[tilespmem:$0x2480] =	vst v5  }
0x63: {  	[tilespmem:$0x2490] =	vst v5  }
0x64: {  	[tilespmem:$0x24A0] =	vst v5  }
0x65: {  	[tilespmem:$0x24B0] =	vst v5  }
0x66: {  	[tilespmem:$0x24C0] =	vst v5  }
0x67: {  	[tilespmem:$0x24D0] =	vst v5  }
0x68: {  	[tilespmem:$0x24E0] =	vst v5  }
0x69: {  	[tilespmem:$0x24F0] =	vst v5  }
0x6a: {  	[tilespmem:$0x2500] =	vst v5  }
0x6b: {  	[tilespmem:$0x2510] =	vst v5  }
0x6c: {  	[tilespmem:$0x2520] =	vst v5  }
0x6d: {  	[tilespmem:$0x2530] =	vst v5  }
0x6e: {  	[tilespmem:$0x2540] =	vst v5  }
0x6f: {  	[tilespmem:$0x2550] =	vst v5  }
0x70: {  	[tilespmem:$0x2560] =	vst v5  }
0x71: {  	[tilespmem:$0x2570] =	vst v5  }
0x72: {  	[tilespmem:$0x2580] =	vst v5  }
0x73: {  	[tilespmem:$0x2590] =	vst v5  }
0x74: {  	[tilespmem:$0x25A0] =	vst v5  }
0x75: {  	[tilespmem:$0x25B0] =	vst v5  }
0x76: {  	[tilespmem:$0x25C0] =	vst v5  }
0x77: {  	[tilespmem:$0x25D0] =	vst v5  }
0x78: {  	[tilespmem:$0x25E0] =	vst v5  }
0x79: {  	[tilespmem:$0x25F0] =	vst v5  }
0x7a: {  	s28 =	simm.s32 $0xFFFFFFFC;
	[tilespmem:$0x2600] =	vst v5  }
0x7b: {  	s29 =	simm.s32 $0x20;
	s30 =	simm.s32 $0x0;
	s31 =	simm.s32 $0xFFFFFFFC;
	[tilespmem:$0x2610] =	vst v5  }
.LBB2_2:
0x7c: {  	v10 =	vld [tilespmem:s29+$0xFFFFFFE0];
	_ =	sdelay $0x4  }
0x7d: {  	vm1 =	vge.s32 v10, v0;
	vm2 =	vlt.s32 v10, v1  }
0x7e: {  	vm1 =	vmand vm1, vm2  }
0x7f: {  	(xrf1) =	vunique.msk.u32 vm1, v10;
	_ =	sdelay $0xd  }
0x80: {  	_, v11, vm2 =	vpop (xrf1)  }
0x81: {  	vm1 =	vmand vm1, vm2  }
0x82: {  	v10 =	vsub.s32 v10, v0;
	_ =	sdelay $0x3  }
0x83: {  	v11 =	vor.u32 s30, v2  }
0x84: {  	[tilespmem:v10+s15+$0x0] =	vst.idx.msk vm1, v11  }
0x85: {  	v10 =	vld [tilespmem:s29+$0xFFFFFFF0];
	_ =	sdelay $0x4  }
0x86: {  	vm1 =	vge.s32 v10, v0;
	vm2 =	vlt.s32 v10, v1  }
0x87: {  	vm1 =	vmand vm1, vm2  }
0x88: {  	(xrf1) =	vunique.msk.u32 vm1, v10;
	_ =	sdelay $0xd  }
0x89: {  	_, v11, vm2 =	vpop (xrf1)  }
0x8a: {  	vm1 =	vmand vm1, vm2  }
0x8b: {  	v10 =	vsub.s32 v10, v0;
	_ =	sdelay $0x2  }
0x8c: {  	s0 =	sadd.s32 $0x10, s30  }
0x8d: {  	v11 =	vor.u32 s0, v2  }
0x8e: {  	[tilespmem:v10+s15+$0x0] =	vst.idx.msk vm1, v11  }
0x8f: {  	v10 =	vld [tilespmem:s29+$0x0];
	_ =	sdelay $0x4  }
0x90: {  	vm1 =	vge.s32 v10, v0;
	vm2 =	vlt.s32 v10, v1  }
0x91: {  	vm1 =	vmand vm1, vm2  }
0x92: {  	(xrf1) =	vunique.msk.u32 vm1, v10;
	_ =	sdelay $0xd  }
0x93: {  	_, v11, vm2 =	vpop (xrf1)  }
0x94: {  	vm1 =	vmand vm1, vm2  }
0x95: {  	v10 =	vsub.s32 v10, v0;
	_ =	sdelay $0x2  }
0x96: {  	s17 =	sadd.s32 $0x20, s30  }
0x97: {  	v11 =	vor.u32 s17, v2  }
0x98: {  	[tilespmem:v10+s15+$0x0] =	vst.idx.msk vm1, v11  }
0x99: {  	v10 =	vld [tilespmem:s29+$0x10];
	_ =	sdelay $0x4  }
0x9a: {  	vm1 =	vge.s32 v10, v0;
	vm2 =	vlt.s32 v10, v1  }
0x9b: {  	vm1 =	vmand vm1, vm2  }
0x9c: {  	(xrf1) =	vunique.msk.u32 vm1, v10;
	_ =	sdelay $0xd  }
0x9d: {  	_, v11, vm2 =	vpop (xrf1)  }
0x9e: {  	s31 =	sadd.s32 $0x4, s31;
	vm1 =	vmand vm1, vm2  }
0x9f: {  	p0 =	slt.u32 s31, $0x1FC;
	v10 =	vsub.s32 v10, v0  }
.Ltmp2:
0xa0: {  	_ = 	snop;
	(pc) =	sbr.rel @p0 .LBB2_2-.Ltmp2, $4  }
0xa1: {  	_ = 	snop  }
0xa2: {  	s18 =	sadd.s32 $0x30, s30  }
0xa3: {  	s2 =	simm.s32 $0x2020;
	v11 =	vor.u32 s18, v2  }
0xa4: {  	s30 =	sadd.s32 $0x40, s30;
	s0 =	simm.s32 $0x0;
	s29 =	sadd.s32 $0x40, s29;
	[tilespmem:v10+s15+$0x0] =	vst.idx.msk vm1, v11  }
0xa5: {  	v10 =	vld [tilespmem:s2+$0xFFFFFFE0];
	_ =	sdelay $0x4  }
0xa6: {  	vm1 =	vgt.s32 v10, $0xFFFFFFFF  }
0xa7: {  	[tilespmem:s0+$0x2680] =	vst.msk vm1, v10;
	v10 =	vadd.s32 s12, v2;
	v11 =	vsel vm1, $0x1, v6  }
0xa8: {  	[tilespmem:s0+$0x2D00] =	vst.msk vm1, v10;
	(xrf0) =	vadd.scan.msk.s32 $0xffff, v11  }
0xa9: {  	v10 =	vld [tilespmem:s2+$0xFFFFFFF0];
	_ =	sdelay $0x4  }
0xaa: {  	vm1 =	vgt.s32 v10, $0xFFFFFFFF;
	v11, _, _ =	vpop (xrf0)  }
0xab: {  	v12 =	vsel vm1, $0x1, v6;
	(v2sf) =	vpush v11, $0xF  }
0xac: {  	(xrf0) =	vadd.scan.msk.s32 $0xffff, v12;
	_ =	sdelay $0x5  }
0xad: {  	v11, _, _ =	vpop (xrf0)  }
0xae: {  	(v2sf) =	vpush v11, $0xF;
	_ =	sdelay $0x6  }
0xaf: {  	s29 =	spop (v2sf)  }
0xb0: {  	s18 =	sadd.s32 s0, s29;
	s29 =	sadd.s32 $0x10, s12  }
0xb1: {  	[tilespmem:s18+$0x2680] =	vst.msk vm1, v10;
	v10 =	vadd.s32 s29, v2  }
0xb2: {  	[tilespmem:s18+$0x2D00] =	vst.msk vm1, v10  }
0xb3: {  	v10 =	vld [tilespmem:s2+$0x0];
	_ =	sdelay $0x3  }
0xb4: {  	s29 =	spop (v2sf)  }
0xb5: {  	s0 =	sadd.s32 s18, s29;
	vm1 =	vgt.s32 v10, $0xFFFFFFFF;
	s29 =	sadd.s32 $0x20, s12  }
0xb6: {  	[tilespmem:s0+$0x2680] =	vst.msk vm1, v10;
	v10 =	vadd.s32 s29, v2  }
0xb7: {  	[tilespmem:s0+$0x2D00] =	vst.msk vm1, v10  }
0xb8: {  	v10 =	vld [tilespmem:s2+$0x10];
	_ =	sdelay $0x1  }
0xb9: {  	v11 =	vsel vm1, $0x1, v6  }
0xba: {  	(xrf0) =	vadd.scan.msk.s32 $0xffff, v11;
	_ =	sdelay $0x1  }
0xbb: {  	vm1 =	vgt.s32 v10, $0xFFFFFFFF  }
0xbc: {  	v11 =	vsel vm1, $0x1, v6;
	_ =	sdelay $0x2  }
0xbd: {  	(xrf0) =	vadd.scan.msk.s32 $0xffff, v11;
	v11, _, _ =	vpop (xrf0)  }
0xbe: {  	(v2sf) =	vpush v11, $0xF;
	_ =	sdelay $0x6  }
0xbf: {  	v11, _, _ =	vpop (xrf0)  }
0xc0: {  	(v2sf) =	vpush v11, $0xF;
	_ =	sdelay $0x6  }
0xc1: {  	s29 =	spop (v2sf)  }
0xc2: {  	s17 =	sadd.s32 $0x30, s12;
	s31 =	sadd.s32 s0, s29  }
0xc3: {  	[tilespmem:s31+$0x2680] =	vst.msk vm1, v10;
	v10 =	vadd.s32 s17, v2  }
0xc4: {  	s18 =	sadd.s32 $0x4, s28;
	s28 =	sadd.s32 $0x40, s2;
	[tilespmem:s31+$0x2D00] =	vst.msk vm1, v10  }
0xc5: {  	v10 =	vld [tilespmem:s28+$0xFFFFFFE0];
	_ =	sdelay $0x3  }
0xc6: {  	s30 =	sadd.s32 $0x4, s18;
	s29 =	smov.u32 s12;
	s0 =	spop (v2sf)  }
.LBB2_4:
0xc7: {  	s30 =	sadd.s32 $0x4, s30;
	vm1 =	vgt.s32 v10, $0xFFFFFFFF;
	s0 =	sadd.s32 s31, s0;
	s29 =	sadd.s32 $0x40, s29  }
0xc8: {  	p0 =	slt.u32 s30, $0x5C;
	[tilespmem:s0+$0x2680] =	vst.msk vm1, v10;
	v10 =	vadd.s32 s29, v2;
	v11 =	vsel vm1, $0x1, v6  }
0xc9: {  	[tilespmem:s0+$0x2D00] =	vst.msk vm1, v10;
	(xrf0) =	vadd.scan.msk.s32 $0xffff, v11  }
0xca: {  	v10 =	vld [tilespmem:s28+$0xFFFFFFF0];
	_ =	sdelay $0x4  }
0xcb: {  	vm1 =	vgt.s32 v10, $0xFFFFFFFF;
	v11, _, _ =	vpop (xrf0)  }
0xcc: {  	v12 =	vsel vm1, $0x1, v6;
	(v2sf) =	vpush v11, $0xF  }
0xcd: {  	(xrf0) =	vadd.scan.msk.s32 $0xffff, v12;
	_ =	sdelay $0x5  }
0xce: {  	v11, _, _ =	vpop (xrf0)  }
0xcf: {  	(v2sf) =	vpush v11, $0xF;
	_ =	sdelay $0x6  }
0xd0: {  	s2 =	spop (v2sf)  }
0xd1: {  	s0 =	sadd.s32 s0, s2;
	s2 =	sadd.s32 $0x10, s29  }
0xd2: {  	[tilespmem:s0+$0x2680] =	vst.msk vm1, v10;
	v10 =	vadd.s32 s2, v2  }
0xd3: {  	[tilespmem:s0+$0x2D00] =	vst.msk vm1, v10  }
0xd4: {  	v10 =	vld [tilespmem:s28+$0x0];
	_ =	sdelay $0x3  }
0xd5: {  	s2 =	spop (v2sf)  }
0xd6: {  	s0 =	sadd.s32 s0, s2;
	vm1 =	vgt.s32 v10, $0xFFFFFFFF;
	s2 =	sadd.s32 $0x20, s29  }
0xd7: {  	[tilespmem:s0+$0x2680] =	vst.msk vm1, v10;
	v10 =	vadd.s32 s2, v2;
	v11 =	vsel vm1, $0x1, v6  }
0xd8: {  	[tilespmem:s0+$0x2D00] =	vst.msk vm1, v10;
	(xrf0) =	vadd.scan.msk.s32 $0xffff, v11  }
0xd9: {  	v10 =	vld [tilespmem:s28+$0x10];
	_ =	sdelay $0x4  }
0xda: {  	vm1 =	vgt.s32 v10, $0xFFFFFFFF;
	v11, _, _ =	vpop (xrf0)  }
0xdb: {  	v12 =	vsel vm1, $0x1, v6;
	(v2sf) =	vpush v11, $0xF  }
0xdc: {  	(xrf0) =	vadd.scan.msk.s32 $0xffff, v12;
	_ =	sdelay $0x5  }
0xdd: {  	v11, _, _ =	vpop (xrf0)  }
0xde: {  	(v2sf) =	vpush v11, $0xF;
	_ =	sdelay $0x6  }
0xdf: {  	s2 =	spop (v2sf)  }
0xe0: {  	s31 =	sadd.s32 s0, s2;
	s0 =	sadd.s32 $0x30, s29  }
0xe1: {  	[tilespmem:s31+$0x2680] =	vst.msk vm1, v10;
	v10 =	vadd.s32 s0, v2  }
0xe2: {  	s28 =	sadd.s32 $0x40, s28;
	[tilespmem:s31+$0x2D00] =	vst.msk vm1, v10  }
.Ltmp3:
0xe3: {  	v10 =	vld [tilespmem:s28+$0xFFFFFFE0];
	(pc) =	sbr.rel @p0 .LBB2_4-.Ltmp3, $2  }
0xe4: {  	_ =	sdelay $0x2  }
0xe5: {  	s0 =	spop (v2sf)  }
0xe6: {  	vm1 =	vgt.s32 v10, $0xFFFFFFFF;
	s0 =	sadd.s32 s31, s0;
	s2 =	sadd.s32 $0x40, s29  }
0xe7: {  	[tilespmem:s0+$0x2680] =	vst.msk vm1, v10;
	v10 =	vadd.s32 s2, v2;
	v11 =	vsel vm1, $0x1, v6  }
0xe8: {  	[tilespmem:s0+$0x2D00] =	vst.msk vm1, v10;
	(xrf0) =	vadd.scan.msk.s32 $0xffff, v11  }
0xe9: {  	v10 =	vld [tilespmem:s28+$0xFFFFFFF0];
	_ =	sdelay $0x4  }
0xea: {  	vm1 =	vgt.s32 v10, $0xFFFFFFFF;
	v11, _, _ =	vpop (xrf0)  }
0xeb: {  	v12 =	vsel vm1, $0x1, v6;
	(v2sf) =	vpush v11, $0xF  }
0xec: {  	(xrf0) =	vadd.scan.msk.s32 $0xffff, v12;
	_ =	sdelay $0x5  }
0xed: {  	v11, _, _ =	vpop (xrf0)  }
0xee: {  	(v2sf) =	vpush v11, $0xF;
	_ =	sdelay $0x6  }
0xef: {  	s18 =	spop (v2sf)  }
0xf0: {  	s30 =	sadd.s32 $0x10, s2;
	s0 =	sadd.s32 s0, s18  }
0xf1: {  	[tilespmem:s0+$0x2680] =	vst.msk vm1, v10;
	v10 =	vadd.s32 s30, v2  }
0xf2: {  	[tilespmem:s0+$0x2D00] =	vst.msk vm1, v10  }
0xf3: {  	v10 =	vld [tilespmem:s28+$0x0];
	_ =	sdelay $0x3  }
0xf4: {  	s31 =	spop (v2sf)  }
0xf5: {  	s17 =	sadd.s32 $0x20, s2;
	s0 =	sadd.s32 s0, s31;
	vm1 =	vgt.s32 v10, $0xFFFFFFFF  }
0xf6: {  	[tilespmem:s0+$0x2680] =	vst.msk vm1, v10;
	v10 =	vadd.s32 s17, v2;
	v11 =	vsel vm1, $0x1, v6  }
0xf7: {  	[tilespmem:s0+$0x2D00] =	vst.msk vm1, v10;
	(xrf0) =	vadd.scan.msk.s32 $0xffff, v11  }
0xf8: {  	v10 =	vld [tilespmem:s28+$0x10];
	_ =	sdelay $0x4  }
0xf9: {  	vm1 =	vgt.s32 v10, $0xFFFFFFFF;
	v11, _, _ =	vpop (xrf0)  }
0xfa: {  	v63 =	vsel vm1, $0x1, v6;
	(v2sf) =	vpush v11, $0xF  }
0xfb: {  	(xrf0) =	vadd.scan.msk.s32 $0xffff, v63;
	_ =	sdelay $0x5  }
0xfc: {  	v11, _, _ =	vpop (xrf0)  }
0xfd: {  	(v2sf) =	vpush v11, $0xF;
	_ =	sdelay $0x6  }
0xfe: {  	s18 =	spop (v2sf)  }
0xff: {  	s2 =	sadd.s32 $0x30, s2;
	s0 =	sadd.s32 s0, s18  }
0x100: {  	[tilespmem:s0+$0x2680] =	vst.msk vm1, v10;
	v10 =	vadd.s32 s2, v2  }
0x101: {  	[tilespmem:s0+$0x2D00] =	vst.msk vm1, v10  }
0x102: {  	v10 =	vld [tilespmem:$0x2600];
	_ =	sdelay $0x3  }
0x103: {  	s29 =	spop (v2sf)  }
0x104: {  	s0 =	sadd.s32 s0, s29;
	vm1 =	vgt.s32 v10, $0xFFFFFFFF  }
0x105: {  	[tilespmem:s0+$0x2680] =	vst.msk vm1, v10  }
0x106: {  	[tilespmem:s0+$0x2D00] =	vst.msk vm1, v3  }
0x107: {  	v10 =	vld [tilespmem:$0x2610];
	_ =	sdelay $0x4  }
0x108: {  	v11 =	vsel vm1, $0x1, v6;
	vm1 =	vgt.s32 v10, $0xFFFFFFFF  }
0x109: {  	(xrf0) =	vadd.scan.msk.s32 $0xffff, v11;
	v11 =	vsel vm1, $0x1, v6  }
0x10a: {  	(xrf0) =	vadd.scan.msk.s32 $0xffff, v11;
	_ =	sdelay $0x4  }
0x10b: {  	v11, _, _ =	vpop (xrf0)  }
0x10c: {  	(v2sf) =	vpush v11, $0xF;
	v11, _, _ =	vpop (xrf0)  }
0x10d: {  	(v2sf) =	vpush v11, $0xF;
	_ =	sdelay $0xd  }
0x10e: {  	s30 =	spop (v2sf)  }
0x10f: {  	s0 =	sadd.s32 s0, s30;
	s31 =	spop (v2sf)  }
0x110: {  	s2 =	sadd.s32 s0, s31  }
0x111: {  	p0 =	slt.s32 s2, $0x1  }
.Ltmp4:
0x112: {  	_ = 	snop;
	(pc) =	sbr.rel @p0 .LBB2_10-.Ltmp4, $3  }
0x113: {  	_ =	sdelay $0x1  }
0x114: {  	[tilespmem:s0+$0x2680] =	vst.msk vm1, v10  }
0x115: {  	[tilespmem:s0+$0x2D00] =	vst.msk vm1, v4  }
0x116: {  	s0 =	sand.u32 $0x7FFFFFF0, s2  }
0x117: {  	p0 =	seq.s32 s0, s2  }
0x118: {  	v10 =	vld.msk @!p0 [tilespmem:s2+$0x267F ss:$0x0], $0xffff  }
0x119: {  	v11 =	vld.msk @!p0 [tilespmem:s2+$0x2CFF ss:$0x0], $0xffff  }
0x11a: {  	v12 =	vld @!p0 [tilespmem:s0+$0x2680]  }
0x11b: {  	v13 =	vld @!p0 [tilespmem:s0+$0x2D00]  }
0x11c: {  	s28 =	sand.u32 @!p0 $0xF, s2;
	v14 =	vlaneseq.u32 @!p0  }
0x11d: {  	v15 =	vmov @!p0 s28;
	v14 =	vadd.s32 @!p0 $0x1, v14  }
0x11e: {  	vm1 =	vlt.u32 @!p0 v15, v14  }
0x11f: {  	v10 =	vsel @!p0 vm1, v10, v12  }
0x120: {  	[tilespmem:s0+$0x2680] =	vst @!p0 v10;
	v10 =	vsel @!p0 vm1, v11, v13  }
0x121: {  	[tilespmem:s0+$0x2D00] =	vst @!p0 v10  }
0x122: {  	v10 =	vld [tilespmem:$0x2680];
	_ =	sdelay $0x4  }
0x123: {  	v11 =	vshll.u32 v10, $0x3  }
0x124: {  	v10 =	vand.u32 $0x7, v10;
	v11 =	vand.u32 $0xFFFFFFC0, v11  }
0x125: {  	v10 =	vor.u32 v10, v11  }
0x126: {  	v11 =	vperm.xlane v10, v7;
	_ =	sdelay $0x1  }
0x127: {  	v11 =	vadd.s32 v8, v11;
	_ =	sdelay $0x1  }
0x128: {  	s17 =	sadd.s32 $0xF, s2  }
0x129: {  	s31 =	simm.s32 $0x3380;
	s30 =	sand.u32 $0xF, s17  }
0x12a: {  	p6 =	slt.s32 s17, $0x0;
	p1 =	sne.s32 s30, $0x0;
	s28 =	sshra.s32 s17, $0x1F  }
0x12b: {  	[tilespmem:s31], [sflag:$0x1] =	stream.indirect_vreg.gather [hbm4b:s3+s13], $0x80, v11, vm0, $0xb8;
	[tilespmem:$0xB380] =	vst v63  }
0x12c: {  	s18 =	simm.s32 $0x3B80;
	p0 =	por !p6, !p1;
	v10 =	vperm.xlane v10, v9;
	s31 =	sshrl.u32 s28, $0x1C  }
0x12d: {  	[tilespmem:s18], [sflag:$0x1] =	stream.indirect_vreg.gather [hbm4b:s5+s13], $0x80, v11, vm0, $0xb8;
	[tilespmem:$0xB380] =	vst v63  }
0x12e: {  	s2 =	simm.s32 $0x1;
	p0 =	por !p0, !p0;
	v10 =	vadd.s32 v8, v10;
	s0 =	sadd.s32 s31, s17  }
0x12f: {  	[tilespmem:s19], [sflag:$0x1] =	stream.indirect_vreg.gather [hbm4b:s6+s13], $0x80, v11, vm0, $0xb8;
	[tilespmem:$0xB380] =	vst v63  }
0x130: {  	s2 =	simm.s32 @!p0 $0x0;
	s0 =	sshra.s32 s0, $0x4  }
0x131: {  	[tilespmem:s20], [sflag:$0x1] =	stream.indirect_vreg.gather [hbm4b:s7+s13], $0x80, v11, vm0, $0xb8;
	[tilespmem:$0xB380] =	vst v63  }
0x132: {  	s28 =	ssub.s32 s0, s2  }
0x133: {  	[tilespmem:s21], [sflag:$0x1] =	stream.indirect_vreg.gather [hbm4b:s3+s13], $0x80, v10, vm0, $0xb8;
	[tilespmem:$0xB380] =	vst v63  }
0x134: {  	p0 =	slt.s32 s28, $0x1  }
0x135: {  	[tilespmem:s22], [sflag:$0x1] =	stream.indirect_vreg.gather [hbm4b:s5+s13], $0x80, v10, vm0, $0xb8;
	[tilespmem:$0xB380] =	vst v63  }
0x136: {  	p1 =	seq.s32 @!p0 s28, $0x1  }
0x137: {  	[tilespmem:s23], [sflag:$0x1] =	stream.indirect_vreg.gather [hbm4b:s6+s13], $0x80, v10, vm0, $0xb8;
	[tilespmem:$0xB380] =	vst v63  }
0x138: {  	p2 =	por p1, p0  }
0x139: {  	[tilespmem:s24], [sflag:$0x1] =	stream.indirect_vreg.gather [hbm4b:s7+s13], $0x80, v10, vm0, $0xb8;
	[tilespmem:$0xB380] =	vst v63  }
0x13a: {  	v10 =	vld @!p2 [tilespmem:$0x2690];
	_ =	sdelay $0x4  }
0x13b: {  	v11 =	vshll.u32 @!p2 v10, $0x3  }
0x13c: {  	v12 =	vlaneseq.u32 @!p2;
	v10 =	vand.u32 @!p2 $0x7, v10;
	v11 =	vand.u32 @!p2 $0xFFFFFFC0, v11  }
0x13d: {  	v13 =	vshrl.u32 @!p2 v12, $0x3;
	v10 =	vor.u32 @!p2 v10, v11;
	v11 =	vand.u32 @!p2 $0x7, v12  }
0x13e: {  	v13 =	vmul.u32 @!p2 $0x8, v13;
	v11 =	vperm.xlane @!p2 v10, v11;
	_ =	sdelay $0x1  }
0x13f: {  	v11 =	vadd.s32 @!p2 v13, v11;
	_ =	sdelay $0x3  }
0x140: {  	vm1 =	vmmov @!p2 $0xffff;
	s0 =	simm.s32 @!p2 $0x0;
	s2 =	simm.s32 @!p2 $0x7380  }
0x141: {  	v12 =	vor.u32 @!p2 $0x8, v12;
	[tilespmem:s2], [sflag:$0x1] =	stream.indirect_vreg.gather @!p2 [hbm4b:s3+s0], $0x80, v11, vm1, $0xb8;
	[tilespmem:$0xB380] =	vst v63  }
0x142: {  	v10 =	vperm.xlane @!p2 v10, v12;
	s2 =	simm.s32 @!p2 $0x7B80  }
0x143: {  	[tilespmem:s2], [sflag:$0x1] =	stream.indirect_vreg.gather @!p2 [hbm4b:s5+s0], $0x80, v11, vm1, $0xb8;
	[tilespmem:$0xB380] =	vst v63  }
0x144: {  	v10 =	vadd.s32 @!p2 v13, v10;
	s2 =	simm.s32 @!p2 $0x8380  }
0x145: {  	[tilespmem:s2], [sflag:$0x1] =	stream.indirect_vreg.gather @!p2 [hbm4b:s6+s0], $0x80, v11, vm1, $0xb8;
	[tilespmem:$0xB380] =	vst v63  }
0x146: {  	s2 =	simm.s32 @!p2 $0x8B80  }
0x147: {  	[tilespmem:s2], [sflag:$0x1] =	stream.indirect_vreg.gather @!p2 [hbm4b:s7+s0], $0x80, v11, vm1, $0xb8;
	[tilespmem:$0xB380] =	vst v63  }
0x148: {  	s2 =	simm.s32 @!p2 $0x9380  }
0x149: {  	[tilespmem:s2], [sflag:$0x1] =	stream.indirect_vreg.gather @!p2 [hbm4b:s3+s0], $0x80, v10, vm1, $0xb8;
	[tilespmem:$0xB380] =	vst v63  }
0x14a: {  	s2 =	simm.s32 @!p2 $0x9B80  }
0x14b: {  	[tilespmem:s2], [sflag:$0x1] =	stream.indirect_vreg.gather @!p2 [hbm4b:s5+s0], $0x80, v10, vm1, $0xb8;
	[tilespmem:$0xB380] =	vst v63  }
0x14c: {  	s2 =	simm.s32 @!p2 $0xA380  }
0x14d: {  	[tilespmem:s2], [sflag:$0x1] =	stream.indirect_vreg.gather @!p2 [hbm4b:s6+s0], $0x80, v10, vm1, $0xb8;
	[tilespmem:$0xB380] =	vst v63  }
0x14e: {  	s29 =	simm.s32 @!p0 $0x1;
	s2 =	simm.s32 @!p2 $0xAB80  }
0x14f: {  	[tilespmem:s2], [sflag:$0x1] =	stream.indirect_vreg.gather @!p2 [hbm4b:s7+s0], $0x80, v10, vm1, $0xb8;
	[tilespmem:$0xB380] =	vst v63  }
0x150: {  	_ =	swait.ge @!p0 [sflag:s29], $0x4000  }
0x151: {  	[sflag:s29] =	ssyncset.done @!p0 $0x0  }
0x152: {  	[sflag:s29] =	ssyncadd.s32 @!p0 $0xFFFFC000  }
0x153: {  	v10 =	vld @!p0 [tilespmem:$0x2D00];
	_ =	sdelay $0x4  }
0x154: {  	v11 =	vshll.u32 @!p0 v10, $0x3  }
0x155: {  	v12 =	vlaneseq.u32 @!p0;
	v10 =	vand.u32 @!p0 $0x7, v10;
	v11 =	vand.u32 @!p0 $0xFFFFFFC0, v11  }
0x156: {  	v13 =	vshrl.u32 @!p0 v12, $0x3;
	v10 =	vor.u32 @!p0 v10, v11;
	v11 =	vand.u32 @!p0 $0x7, v12  }
0x157: {  	v13 =	vmul.u32 @!p0 $0x8, v13;
	v11 =	vperm.xlane @!p0 v10, v11;
	_ =	sdelay $0x1  }
0x158: {  	v11 =	vadd.s32 @!p0 v13, v11;
	_ =	sdelay $0x3  }
0x159: {  	vm1 =	vmmov @!p0 $0xffff;
	s0 =	simm.s32 @!p0 $0x0;
	s2 =	simm.s32 @!p0 $0x3380  }
0x15a: {  	v12 =	vor.u32 @!p0 $0x8, v12;
	[hbm4b:s4+s0] =	stream.indirect_vreg.scatter @!p0 [tilespmem:s2], [sflag:$0x2], $0x80, v11, vm1, $0xb8;
	[tilespmem:$0xB380] =	vst v63  }
0x15b: {  	v10 =	vperm.xlane @!p0 v10, v12;
	s2 =	simm.s32 @!p0 $0x3B80  }
0x15c: {  	[hbm4b:s8+s0] =	stream.indirect_vreg.scatter @!p0 [tilespmem:s2], [sflag:$0x2], $0x80, v11, vm1, $0xb8;
	[tilespmem:$0xB380] =	vst v63  }
0x15d: {  	v10 =	vadd.s32 @!p0 v13, v10;
	s2 =	simm.s32 @!p0 $0x4380  }
0x15e: {  	[hbm4b:s9+s0] =	stream.indirect_vreg.scatter @!p0 [tilespmem:s2], [sflag:$0x2], $0x80, v11, vm1, $0xb8;
	[tilespmem:$0xB380] =	vst v63  }
0x15f: {  	s2 =	simm.s32 @!p0 $0x4B80  }
0x160: {  	[hbm4b:s10+s0] =	stream.indirect_vreg.scatter @!p0 [tilespmem:s2], [sflag:$0x2], $0x80, v11, vm1, $0xb8;
	[tilespmem:$0xB380] =	vst v63  }
0x161: {  	s2 =	simm.s32 @!p0 $0x5380  }
0x162: {  	[hbm4b:s4+s0] =	stream.indirect_vreg.scatter @!p0 [tilespmem:s2], [sflag:$0x2], $0x80, v10, vm1, $0xb8;
	[tilespmem:$0xB380] =	vst v63  }
0x163: {  	p1 =	por p0, p1;
	s2 =	simm.s32 @!p0 $0x5B80  }
0x164: {  	[hbm4b:s8+s0] =	stream.indirect_vreg.scatter @!p0 [tilespmem:s2], [sflag:$0x2], $0x80, v10, vm1, $0xb8;
	[tilespmem:$0xB380] =	vst v63  }
.Ltmp5:
0x165: {  	_ = 	snop;
	(pc) =	sbr.rel @p1 .LBB2_9-.Ltmp5, $4  }
0x166: {  	s2 =	simm.s32 @!p0 $0x6380  }
0x167: {  	[hbm4b:s9+s0] =	stream.indirect_vreg.scatter @!p0 [tilespmem:s2], [sflag:$0x2], $0x80, v10, vm1, $0xb8;
	[tilespmem:$0xB380] =	vst v63  }
0x168: {  	s2 =	simm.s32 @!p0 $0x6B80  }
0x169: {  	[hbm4b:s10+s0] =	stream.indirect_vreg.scatter @!p0 [tilespmem:s2], [sflag:$0x2], $0x80, v10, vm1, $0xb8;
	[tilespmem:$0xB380] =	vst v63  }
0x16a: {  	s30 =	simm.s32 @!p0 $0x2D10;
	s31 =	simm.s32 @!p0 $0x26A0  }
.LBB2_8:
0x16b: {  	_ =	swait.ge [sflag:s25], $0x4000  }
0x16c: {  	s0 =	sand.u32 $0x1, s29;
	s29 =	sadd.s32 $0x1, s29;
	[sflag:s25] =	ssyncset.done $0x0  }
0x16d: {  	p0 =	sge.s32 s29, s28;
	[sflag:s25] =	ssyncadd.s32 $0xFFFFC000  }
0x16e: {  	v10 =	vld @!p0 [tilespmem:s31+$0x0];
	_ =	sdelay $0x4  }
0x16f: {  	v11 =	vshll.u32 @!p0 v10, $0x3  }
0x170: {  	v12 =	vlaneseq.u32 @!p0;
	v10 =	vand.u32 @!p0 $0x7, v10;
	v11 =	vand.u32 @!p0 $0xFFFFFFC0, v11  }
0x171: {  	v13 =	vshrl.u32 @!p0 v12, $0x3;
	v10 =	vor.u32 @!p0 v10, v11;
	v11 =	vand.u32 @!p0 $0x7, v12  }
0x172: {  	v13 =	vmul.u32 @!p0 $0x8, v13;
	v11 =	vperm.xlane @!p0 v10, v11;
	_ =	sdelay $0x1  }
0x173: {  	v11 =	vadd.s32 @!p0 v13, v11;
	_ =	sdelay $0x1  }
0x174: {  	s2 =	sshll.u32 @!p0 s0, $0xE  }
0x175: {  	s2 =	sxor.u32 @!p0 $0x4000, s2  }
0x176: {  	vm1 =	vmmov @!p0 $0xffff;
	s18 =	simm.s32 @!p0 $0x0;
	s17 =	sor.u32 @!p0 $0x3380, s2  }
0x177: {  	v12 =	vor.u32 @!p0 $0x8, v12;
	[tilespmem:s17], [sflag:$0x1] =	stream.indirect_vreg.gather @!p0 [hbm4b:s3+s18], $0x80, v11, vm1, $0xb8;
	[tilespmem:$0xB380] =	vst v63  }
0x178: {  	v10 =	vperm.xlane @!p0 v10, v12;
	s17 =	sor.u32 @!p0 $0x3B80, s2  }
0x179: {  	[tilespmem:s17], [sflag:$0x1] =	stream.indirect_vreg.gather @!p0 [hbm4b:s5+s18], $0x80, v11, vm1, $0xb8;
	[tilespmem:$0xB380] =	vst v63  }
0x17a: {  	v10 =	vadd.s32 @!p0 v13, v10;
	s17 =	sadd.s32 @!p0 $0x4380, s2  }
0x17b: {  	[tilespmem:s17], [sflag:$0x1] =	stream.indirect_vreg.gather @!p0 [hbm4b:s6+s18], $0x80, v11, vm1, $0xb8;
	[tilespmem:$0xB380] =	vst v63  }
0x17c: {  	s17 =	sadd.s32 @!p0 $0x4B80, s2  }
0x17d: {  	[tilespmem:s17], [sflag:$0x1] =	stream.indirect_vreg.gather @!p0 [hbm4b:s7+s18], $0x80, v11, vm1, $0xb8;
	[tilespmem:$0xB380] =	vst v63  }
0x17e: {  	s17 =	sadd.s32 @!p0 $0x5380, s2  }
0x17f: {  	[tilespmem:s17], [sflag:$0x1] =	stream.indirect_vreg.gather @!p0 [hbm4b:s3+s18], $0x80, v10, vm1, $0xb8;
	[tilespmem:$0xB380] =	vst v63  }
0x180: {  	s17 =	sadd.s32 @!p0 $0x5B80, s2  }
0x181: {  	[tilespmem:s17], [sflag:$0x1] =	stream.indirect_vreg.gather @!p0 [hbm4b:s5+s18], $0x80, v10, vm1, $0xb8;
	[tilespmem:$0xB380] =	vst v63  }
0x182: {  	s17 =	sadd.s32 @!p0 $0x6380, s2  }
0x183: {  	[tilespmem:s17], [sflag:$0x1] =	stream.indirect_vreg.gather @!p0 [hbm4b:s6+s18], $0x80, v10, vm1, $0xb8;
	[tilespmem:$0xB380] =	vst v63  }
0x184: {  	s2 =	sadd.s32 @!p0 $0x6B80, s2  }
0x185: {  	[tilespmem:s2], [sflag:$0x1] =	stream.indirect_vreg.gather @!p0 [hbm4b:s7+s18], $0x80, v10, vm1, $0xb8;
	[tilespmem:$0xB380] =	vst v63  }
0x186: {  	_ =	swait.ge [sflag:s16], $0x4000  }
0x187: {  	[sflag:s16] =	ssyncset.done $0x0  }
0x188: {  	[sflag:s16] =	ssyncadd.s32 $0xFFFFC000  }
0x189: {  	v10 =	vld [tilespmem:s30+$0x0];
	_ =	sdelay $0x4  }
0x18a: {  	v11 =	vshll.u32 v10, $0x3  }
0x18b: {  	v10 =	vand.u32 $0x7, v10;
	v11 =	vand.u32 $0xFFFFFFC0, v11  }
0x18c: {  	v10 =	vor.u32 v10, v11  }
0x18d: {  	v11 =	vperm.xlane v10, v7;
	_ =	sdelay $0x1  }
0x18e: {  	v11 =	vadd.s32 v8, v11;
	_ =	sdelay $0x2  }
0x18f: {  	s0 =	sshll.u32 s0, $0xE  }
0x190: {  	s18 =	sor.u32 $0x3380, s0  }
0x191: {  	[hbm4b:s4+s13] =	stream.indirect_vreg.scatter [tilespmem:s18], [sflag:$0x2], $0x80, v11, vm0, $0xb8;
	[tilespmem:$0xB380] =	vst v63  }
0x192: {  	s17 =	sor.u32 $0x3B80, s0;
	v10 =	vperm.xlane v10, v9  }
0x193: {  	[hbm4b:s8+s13] =	stream.indirect_vreg.scatter [tilespmem:s17], [sflag:$0x2], $0x80, v11, vm0, $0xb8;
	[tilespmem:$0xB380] =	vst v63  }
0x194: {  	v10 =	vadd.s32 v8, v10;
	s18 =	sadd.s32 $0x4380, s0  }
0x195: {  	[hbm4b:s9+s13] =	stream.indirect_vreg.scatter [tilespmem:s18], [sflag:$0x2], $0x80, v11, vm0, $0xb8;
	[tilespmem:$0xB380] =	vst v63  }
0x196: {  	s17 =	sadd.s32 $0x4B80, s0  }
0x197: {  	[hbm4b:s10+s13] =	stream.indirect_vreg.scatter [tilespmem:s17], [sflag:$0x2], $0x80, v11, vm0, $0xb8;
	[tilespmem:$0xB380] =	vst v63  }
0x198: {  	s18 =	sadd.s32 $0x5380, s0  }
0x199: {  	[hbm4b:s4+s13] =	stream.indirect_vreg.scatter [tilespmem:s18], [sflag:$0x2], $0x80, v10, vm0, $0xb8;
	[tilespmem:$0xB380] =	vst v63  }
0x19a: {  	p0 =	sne.s32 s28, s29;
	s17 =	sadd.s32 $0x5B80, s0  }
0x19b: {  	[hbm4b:s8+s13] =	stream.indirect_vreg.scatter [tilespmem:s17], [sflag:$0x2], $0x80, v10, vm0, $0xb8;
	[tilespmem:$0xB380] =	vst v63  }
.Ltmp6:
0x19c: {  	_ = 	snop;
	(pc) =	sbr.rel @p0 .LBB2_8-.Ltmp6, $4  }
0x19d: {  	s18 =	sadd.s32 $0x6380, s0  }
0x19e: {  	[hbm4b:s9+s13] =	stream.indirect_vreg.scatter [tilespmem:s18], [sflag:$0x2], $0x80, v10, vm0, $0xb8;
	[tilespmem:$0xB380] =	vst v63  }
0x19f: {  	s31 =	sadd.s32 $0x10, s31;
	s30 =	sadd.s32 $0x10, s30;
	s0 =	sadd.s32 $0x6B80, s0  }
0x1a0: {  	[hbm4b:s10+s13] =	stream.indirect_vreg.scatter [tilespmem:s0], [sflag:$0x2], $0x80, v10, vm0, $0xb8;
	[tilespmem:$0xB380] =	vst v63  }
.Ltmp7:
0x1a1: {  	_ = 	snop;
	(pc) =	sbr.rel .LBB2_9-.Ltmp7, $1  }
0x1a2: {  	_ =	sdelay $0x3  }
.LBB2_11:
0x1a3: {  	_ =	sfence.sel $0x180000  }
0x1a4: {  	[bflag:$0x0] =	sbarrier.arrive $0xFFFF  }
0x1a5: {  	_ =	strace $0x90000047  }
0x1a6: {  	s0 =	stileid.u32;
	[bflag:$0x2] =	sbarrier.arrive $0xFFFF  }
0x1a7: {  	p0 =	sne.s32 s0, $0x0;
	s0 =	rddreg [dreg:$0x3]  }
0x1a8: {  	s0 =	sadd.s32 @!p0 $0x100000, s0  }
0x1a9: {  	[sflag:s0] =	ssyncadd.tile.s32 @!p0 $0x1;
	_ =	shalt  }
.Lfunc_end2:
_tile_overlayer_lowered:
.L_overlay_start_2:
0x1aa: {  	(tag) =	ssettag $0x2  }
0x1ab: {  	s0 =	rddreg [dreg:$0x0];
	s2 =	stileid.u32  }
0x1ac: {  	s1 =	rddreg [dreg:$0x1];
	p0 =	sne.s32 s2, $0x0  }
0x1ad: {  	s3 =	rddreg [dreg:$0x2];
	[bflag:$0x3] =	sbarrier.arrive $0xFFFF;
	s2 =	simm.s32 @!p0 $0x1C03  }
0x1ae: {  	[timem:s3], [sflag:s2] =	dma.local @!p0 [hbm:s0], s1  }
0x1af: {  	s0 =	simm.s32 @!p0 $0x3  }
0x1b0: {  	_ =	swait.ge @!p0 [sflag:s0], s1  }
0x1b1: {  	s1 =	ssub.s32 @!p0 $0x0, s1;
	[sflag:s0] =	ssyncset.done @!p0 $0x0  }
0x1b2: {  	[sflag:s0] =	ssyncadd.s32 @!p0 s1  }
0x1b3: {  	[bflag:$0x3] =	sbarrier.arrive $0xFFFF  }
0x1b4: {  	_ =	shalt  }

</sc_bundles>
